<compile_context>
chip_gen: v7x
topology: tpu7x:2x2x1
jax: 0.10.2.dev20260603
libtpu: 0.0.44.dev20260713+nightly
codegen_flags: <defaults>
</compile_context>

<pallas_src>
import functools

import jax
import jax.numpy as jnp
from jax import lax
from jax.experimental import pallas as pl
from jax.experimental.pallas import tpu as pltpu
from jax.experimental.pallas import tpu_sc as plsc

NUM_ENTITIES = 1000000
NUM_RELATIONS = 1000
D = 64
BATCH = 16384
HALF = NUM_ENTITIES // 2

NC, NS, L = 2, 16, 16
NW = NC * NS
CHUNK = 128
N_CHUNKS = BATCH // CHUNK
CPW = N_CHUNKS // NW

GRP = 16384
PAIR = GRP // 2
PSTEPS = -(-NUM_ENTITIES // GRP)
PROWS = PSTEPS * PAIR


def _trig_body(rel_ref, cs_ref):
    th = rel_ref[...]
    cs_ref[...] = jnp.concatenate([jnp.cos(th), jnp.sin(th)], axis=1)


_trig = pl.pallas_call(
    _trig_body,
    out_shape=jax.ShapeDtypeStruct((NUM_RELATIONS, 2 * D), jnp.float32),
)


def _pack_pair(re, im):
    reu = lax.bitcast_convert_type(
        re.astype(jnp.bfloat16), jnp.uint16).astype(jnp.uint32)
    imu = lax.bitcast_convert_type(
        im.astype(jnp.bfloat16), jnp.uint16).astype(jnp.uint32)
    return (imu << 16) | reu


def _pack_body(re_ref, im_ref, out_ref):
    t = _pack_pair(re_ref[...], im_ref[...]).T
    out_ref[...] = lax.bitcast_convert_type(
        jnp.concatenate([t[:PAIR], t[PAIR:]], axis=1), jnp.int32)


_pack = pl.pallas_call(
    _pack_body,
    grid=(PSTEPS,),
    in_specs=[
        pl.BlockSpec((D, GRP), lambda k: (0, k)),
        pl.BlockSpec((D, GRP), lambda k: (0, k)),
    ],
    out_specs=pl.BlockSpec((PAIR, 2 * D), lambda k: (k, 0)),
    out_shape=jax.ShapeDtypeStruct((PROWS, 2 * D), jnp.int32),
)


def _rotate_body(sup_ref, r_ref, col_ref, ent_pk, cs_t,
                 out, idx_e, idx_r, col_v, pk, cs, sem):
    wid = lax.axis_index("s") * NC + lax.axis_index("c")
    row0 = wid * CPW
    pltpu.sync_copy(sup_ref.at[pl.ds(row0, CPW)], idx_e)
    pltpu.sync_copy(r_ref.at[pl.ds(row0, CPW)], idx_r)
    pltpu.sync_copy(col_ref.at[pl.ds(row0, CPW)], col_v)
    hi_mask = jnp.full((L,), -65536, jnp.int32)
    for j in range(CPW):
        cps = [
            pltpu.async_copy(ent_pk.at[idx_e.at[j]], pk, sem),
            pltpu.async_copy(cs_t.at[idx_r.at[j]], cs, sem),
        ]
        for c in cps:
            c.wait()

        def body(i, carry):
            zl = jnp.zeros((L,), jnp.int32)
            p = plsc.load_gather(col_v, [zl + j, zl + i])
            m = p > 0
            for k in range(D // L):
                sl = pl.ds(k * L, L)
                sh = pl.ds(D + k * L, L)
                v = jnp.where(m, pk[i, sh], pk[i, sl])
                a = plsc.bitcast(v << 16, jnp.float32)
                b = plsc.bitcast(v & hi_mask, jnp.float32)
                c = cs[i, sl]
                s = cs[i, sh]
                cs[i, sl] = a * c - b * s
                cs[i, sh] = a * s + b * c
            return carry

        lax.fori_loop(0, CHUNK, body, 0)
        base = (row0 + j) * CHUNK
        pltpu.sync_copy(cs, out.at[pl.ds(base, CHUNK)])


_rotate = functools.partial(
    pl.kernel,
    out_type=jax.ShapeDtypeStruct((BATCH, 2 * D), jnp.float32),
    mesh=plsc.VectorSubcoreMesh(
        core_axis_name="c", subcore_axis_name="s", num_cores=NC, num_subcores=NS),
    scratch_types=[
        pltpu.VMEM((CPW, CHUNK), jnp.int32),
        pltpu.VMEM((CPW, CHUNK), jnp.int32),
        pltpu.VMEM((CPW, CHUNK), jnp.int32),
        pltpu.VMEM((CHUNK, 2 * D), jnp.int32),
        pltpu.VMEM((CHUNK, 2 * D), jnp.float32),
        pltpu.SemaphoreType.DMA,
    ],
    compiler_params=pltpu.CompilerParams(needs_layout_passes=False),
)(_rotate_body)


def kernel(e1, r, entity_real, entity_img, relation):
    e1 = e1.astype(jnp.int32)
    r = r.astype(jnp.int32).reshape(N_CHUNKS, CHUNK)
    off = e1 % GRP
    sup = (PAIR * (e1 // GRP) + (off % PAIR)).reshape(N_CHUNKS, CHUNK)
    col = jnp.where(off >= PAIR, D, 0).astype(jnp.int32).reshape(N_CHUNKS, CHUNK)
    packed = _pack(entity_real.T, entity_img.T)
    cs_t = _trig(relation)
    out = _rotate(sup, r, col, packed, cs_t)
    return out[:, :D], out[:, D:]

# --- scband reference (transcript-rebuilt; emitter-appended) ---
"""Pipeline reference for scband-rotat-e-18382460026887 (READ-ONLY COPY).

The authoritative reference and input builder live on the scoring server;
editing this copy changes nothing except your own understanding.
"""

import jax, jax.numpy as jnp
import numpy as np

NUM_ENTITIES = 1000000
NUM_RELATIONS = 1000
EMBED_DIM = 64
BATCH = 16384

def setup_inputs(seed: int = 0) -> dict:
    key = jax.random.key(seed)
    k1, k2, k3, k4, k5 = jax.random.split(key, 5)
    e1 = jax.random.randint(k1, (BATCH,), 0, NUM_ENTITIES, dtype=jnp.int64 if jax.config.jax_enable_x64 else jnp.int32)
    r = jax.random.randint(k2, (BATCH,), 0, NUM_RELATIONS, dtype=jnp.int64 if jax.config.jax_enable_x64 else jnp.int32)
    entity_real = jax.random.normal(k3, (NUM_ENTITIES, EMBED_DIM), dtype=jnp.float32) * 0.05
    entity_img = jax.random.normal(k4, (NUM_ENTITIES, EMBED_DIM), dtype=jnp.float32) * 0.05
    relation = jax.random.uniform(k5, (NUM_RELATIONS, EMBED_DIM), dtype=jnp.float32, minval=-np.pi, maxval=np.pi)
    return {"e1": e1, "r": r, "entity_real": entity_real, "entity_img": entity_img, "relation": relation}

def reference(e1, r, entity_real, entity_img, relation):
    # kg.get_entity_embeddings(e1) / kg.get_entity_img_embeddings(e1)
    E1_real = jnp.take(entity_real, e1, axis=0)
    E1_img = jnp.take(entity_img, e1, axis=0)
    # kg.get_relation_embeddings(r) returns phase theta
    R_theta = jnp.take(relation, r, axis=0)
    R_real = jnp.cos(R_theta)
    R_img = jnp.sin(R_theta)
    # forward_displacement: complex Hadamard product e_h o e_r
    E2_real_approx = E1_real * R_real - E1_img * R_img
    E2_img_approx = E1_real * R_img + E1_img * R_real
    return (E2_real_approx, E2_img_approx)

if __name__ == "__main__":
    import jax
    _d = setup_inputs()
    print(jax.jit(kernel)(*tuple(_d.values())))

</pallas_src>

<mosaic_0001>
#map = affine_map<(d0, d1) -> (0, 0)>
module attributes {stable_mosaic.version = 14 : i64} {
  func.func @_rotate_body(%arg0: i32, %arg1: i32, %arg2: memref<128x128xi32, #tpu.memory_space<hbm>>, %arg3: memref<128x128xi32, #tpu.memory_space<hbm>>, %arg4: memref<128x128xi32, #tpu.memory_space<hbm>>, %arg5: memref<507904x128xi32, #tpu.memory_space<hbm>>, %arg6: memref<1000x128xf32, #tpu.memory_space<hbm>>, %arg7: memref<16384x128xf32, #tpu.memory_space<hbm>>, %arg8: memref<4x128xi32, #tpu.memory_space<vmem>>, %arg9: memref<4x128xi32, #tpu.memory_space<vmem>>, %arg10: memref<4x128xi32, #tpu.memory_space<vmem>>, %arg11: memref<128x128xi32, #tpu.memory_space<vmem>>, %arg12: memref<128x128xf32, #tpu.memory_space<vmem>>, %arg13: memref<!tpu.dma_semaphore, #tpu.memory_space<semaphore_mem>>) attributes {dimension_semantics = [#tpu.dimension_semantics<core_parallel>, #tpu.dimension_semantics<subcore_parallel>], iteration_bounds = array<i64: 2, 16>, scalar_prefetch = 0 : i64, scratch_operands = 6 : i64, tpu.core_type = #tpu.core_type<sc_vector_subcore>, window_params = [{transform_indices = #map}, {transform_indices = #map}, {transform_indices = #map}, {transform_indices = #map}, {transform_indices = #map}, {transform_indices = #map}]} {
    %mul3A = arith.constant 2 : i32
    %mul3A_0 = arith.muli %arg1, %mul3A : i32
    %add3A = arith.addi %mul3A_0, %arg0 : i32
    %mul3A_1 = arith.constant 4 : i32
    %mul3A_2 = arith.muli %add3A, %mul3A_1 : i32
    "tpu.region"() ({
      %run_scoped3A = tpu.sem_alloc : memref<!tpu.dma_semaphore, #tpu.memory_space<semaphore_mem>>
      %dma_start3A_153 = arith.constant 0 : i32
      %dma_start3A_154 = tpu.memref_slice %arg2[%mul3A_2, %dma_start3A_153] : memref<128x128xi32, #tpu.memory_space<hbm>> -> memref<4x128xi32, #tpu.memory_space<hbm>>
      %dma_start3A_155 = arith.constant 0 : i32
      %dma_start3A_156 = tpu.memref_slice %arg2[%mul3A_2, %dma_start3A_155] : memref<128x128xi32, #tpu.memory_space<hbm>> -> memref<4x128xi32, #tpu.memory_space<hbm>>
      tpu.enqueue_dma source(%dma_start3A_156 : memref<4x128xi32, #tpu.memory_space<hbm>>) target(%arg8 : memref<4x128xi32, #tpu.memory_space<vmem>>) target_semaphore(%run_scoped3A : memref<!tpu.dma_semaphore, #tpu.memory_space<semaphore_mem>>)
      %dma_wait3A_157 = arith.constant 0 : i32
      %dma_wait3A_158 = tpu.memref_slice %arg2[%mul3A_2, %dma_wait3A_157] : memref<128x128xi32, #tpu.memory_space<hbm>> -> memref<4x128xi32, #tpu.memory_space<hbm>>
      %dma_wait3A_159 = arith.constant 0 : i32
      %dma_wait3A_160 = tpu.memref_slice %arg2[%mul3A_2, %dma_wait3A_159] : memref<128x128xi32, #tpu.memory_space<hbm>> -> memref<4x128xi32, #tpu.memory_space<hbm>>
      tpu.wait_dma2 semaphore(%run_scoped3A : memref<!tpu.dma_semaphore, #tpu.memory_space<semaphore_mem>>) src(%dma_wait3A_160 : memref<4x128xi32, #tpu.memory_space<hbm>>) dst(%arg8 : memref<4x128xi32, #tpu.memory_space<vmem>>)
      tpu.yield
    }) : () -> ()
    "tpu.region"() ({
      %run_scoped3A = tpu.sem_alloc : memref<!tpu.dma_semaphore, #tpu.memory_space<semaphore_mem>>
      %dma_start3A_153 = arith.constant 0 : i32
      %dma_start3A_154 = tpu.memref_slice %arg3[%mul3A_2, %dma_start3A_153] : memref<128x128xi32, #tpu.memory_space<hbm>> -> memref<4x128xi32, #tpu.memory_space<hbm>>
      %dma_start3A_155 = arith.constant 0 : i32
      %dma_start3A_156 = tpu.memref_slice %arg3[%mul3A_2, %dma_start3A_155] : memref<128x128xi32, #tpu.memory_space<hbm>> -> memref<4x128xi32, #tpu.memory_space<hbm>>
      tpu.enqueue_dma source(%dma_start3A_156 : memref<4x128xi32, #tpu.memory_space<hbm>>) target(%arg9 : memref<4x128xi32, #tpu.memory_space<vmem>>) target_semaphore(%run_scoped3A : memref<!tpu.dma_semaphore, #tpu.memory_space<semaphore_mem>>)
      %dma_wait3A_157 = arith.constant 0 : i32
      %dma_wait3A_158 = tpu.memref_slice %arg3[%mul3A_2, %dma_wait3A_157] : memref<128x128xi32, #tpu.memory_space<hbm>> -> memref<4x128xi32, #tpu.memory_space<hbm>>
      %dma_wait3A_159 = arith.constant 0 : i32
      %dma_wait3A_160 = tpu.memref_slice %arg3[%mul3A_2, %dma_wait3A_159] : memref<128x128xi32, #tpu.memory_space<hbm>> -> memref<4x128xi32, #tpu.memory_space<hbm>>
      tpu.wait_dma2 semaphore(%run_scoped3A : memref<!tpu.dma_semaphore, #tpu.memory_space<semaphore_mem>>) src(%dma_wait3A_160 : memref<4x128xi32, #tpu.memory_space<hbm>>) dst(%arg9 : memref<4x128xi32, #tpu.memory_space<vmem>>)
      tpu.yield
    }) : () -> ()
    "tpu.region"() ({
      %run_scoped3A = tpu.sem_alloc : memref<!tpu.dma_semaphore, #tpu.memory_space<semaphore_mem>>
      %dma_start3A_153 = arith.constant 0 : i32
      %dma_start3A_154 = tpu.memref_slice %arg4[%mul3A_2, %dma_start3A_153] : memref<128x128xi32, #tpu.memory_space<hbm>> -> memref<4x128xi32, #tpu.memory_space<hbm>>
      %dma_start3A_155 = arith.constant 0 : i32
      %dma_start3A_156 = tpu.memref_slice %arg4[%mul3A_2, %dma_start3A_155] : memref<128x128xi32, #tpu.memory_space<hbm>> -> memref<4x128xi32, #tpu.memory_space<hbm>>
      tpu.enqueue_dma source(%dma_start3A_156 : memref<4x128xi32, #tpu.memory_space<hbm>>) target(%arg10 : memref<4x128xi32, #tpu.memory_space<vmem>>) target_semaphore(%run_scoped3A : memref<!tpu.dma_semaphore, #tpu.memory_space<semaphore_mem>>)
      %dma_wait3A_157 = arith.constant 0 : i32
      %dma_wait3A_158 = tpu.memref_slice %arg4[%mul3A_2, %dma_wait3A_157] : memref<128x128xi32, #tpu.memory_space<hbm>> -> memref<4x128xi32, #tpu.memory_space<hbm>>
      %dma_wait3A_159 = arith.constant 0 : i32
      %dma_wait3A_160 = tpu.memref_slice %arg4[%mul3A_2, %dma_wait3A_159] : memref<128x128xi32, #tpu.memory_space<hbm>> -> memref<4x128xi32, #tpu.memory_space<hbm>>
      tpu.wait_dma2 semaphore(%run_scoped3A : memref<!tpu.dma_semaphore, #tpu.memory_space<semaphore_mem>>) src(%dma_wait3A_160 : memref<4x128xi32, #tpu.memory_space<hbm>>) dst(%arg10 : memref<4x128xi32, #tpu.memory_space<vmem>>)
      tpu.yield
    }) : () -> ()
    %broadcast_in_dim3A = arith.constant -65536 : i32
    %broadcast_in_dim3A_3 = vector.broadcast %broadcast_in_dim3A : i32 to vector<16xi32>
    %dma_start3A = arith.constant 0 : i32
    %dma_start3A_4 = arith.constant 0 : i32
    %dma_start3A_5 = tpu.memref_slice %arg8[%dma_start3A, %dma_start3A_4] : memref<4x128xi32, #tpu.memory_space<vmem>> -> memref<1x128xi32, #tpu.memory_space<vmem>>
    %dma_start3A_6 = tpu.memref_squeeze %dma_start3A_5 : memref<1x128xi32, #tpu.memory_space<vmem>> -> memref<128xi32, #tpu.memory_space<vmem>>
    %dma_start3A_7 = arith.constant 0 : i32
    %dma_start3A_8 = arith.constant 0 : i32
    %dma_start3A_9 = tpu.memref_slice %arg5[%dma_start3A_7, %dma_start3A_8] : memref<507904x128xi32, #tpu.memory_space<hbm>> -> memref<507904x128xi32, #tpu.memory_space<hbm>>
    tpu.enqueue_indirect_dma source(%dma_start3A_9 : memref<507904x128xi32, #tpu.memory_space<hbm>>) target(%arg11 : memref<128x128xi32, #tpu.memory_space<vmem>>) offsets(%dma_start3A_6 : memref<128xi32, #tpu.memory_space<vmem>>) semaphore(%arg13 : memref<!tpu.dma_semaphore, #tpu.memory_space<semaphore_mem>>)
    %dma_start3A_10 = arith.constant 0 : i32
    %dma_start3A_11 = arith.constant 0 : i32
    %dma_start3A_12 = tpu.memref_slice %arg9[%dma_start3A_10, %dma_start3A_11] : memref<4x128xi32, #tpu.memory_space<vmem>> -> memref<1x128xi32, #tpu.memory_space<vmem>>
    %dma_start3A_13 = tpu.memref_squeeze %dma_start3A_12 : memref<1x128xi32, #tpu.memory_space<vmem>> -> memref<128xi32, #tpu.memory_space<vmem>>
    %dma_start3A_14 = arith.constant 0 : i32
    %dma_start3A_15 = arith.constant 0 : i32
    %dma_start3A_16 = tpu.memref_slice %arg6[%dma_start3A_14, %dma_start3A_15] : memref<1000x128xf32, #tpu.memory_space<hbm>> -> memref<1000x128xf32, #tpu.memory_space<hbm>>
    tpu.enqueue_indirect_dma source(%dma_start3A_16 : memref<1000x128xf32, #tpu.memory_space<hbm>>) target(%arg12 : memref<128x128xf32, #tpu.memory_space<vmem>>) offsets(%dma_start3A_13 : memref<128xi32, #tpu.memory_space<vmem>>) semaphore(%arg13 : memref<!tpu.dma_semaphore, #tpu.memory_space<semaphore_mem>>)
    %dma_wait3A = arith.constant 0 : i32
    %dma_wait3A_17 = arith.constant 0 : i32
    %dma_wait3A_18 = tpu.memref_slice %arg8[%dma_wait3A, %dma_wait3A_17] : memref<4x128xi32, #tpu.memory_space<vmem>> -> memref<1x128xi32, #tpu.memory_space<vmem>>
    %dma_wait3A_19 = tpu.memref_squeeze %dma_wait3A_18 : memref<1x128xi32, #tpu.memory_space<vmem>> -> memref<128xi32, #tpu.memory_space<vmem>>
    %dma_wait3A_20 = arith.constant 0 : i32
    %dma_wait3A_21 = arith.constant 0 : i32
    %dma_wait3A_22 = tpu.memref_slice %arg5[%dma_wait3A_20, %dma_wait3A_21] : memref<507904x128xi32, #tpu.memory_space<hbm>> -> memref<507904x128xi32, #tpu.memory_space<hbm>>
    tpu.wait_indirect_dma semaphore(%arg13 : memref<!tpu.dma_semaphore, #tpu.memory_space<semaphore_mem>>) src(%dma_wait3A_22 : memref<507904x128xi32, #tpu.memory_space<hbm>>) dst(%arg11 : memref<128x128xi32, #tpu.memory_space<vmem>>)
    %dma_wait3A_23 = arith.constant 0 : i32
    %dma_wait3A_24 = arith.constant 0 : i32
    %dma_wait3A_25 = tpu.memref_slice %arg9[%dma_wait3A_23, %dma_wait3A_24] : memref<4x128xi32, #tpu.memory_space<vmem>> -> memref<1x128xi32, #tpu.memory_space<vmem>>
    %dma_wait3A_26 = tpu.memref_squeeze %dma_wait3A_25 : memref<1x128xi32, #tpu.memory_space<vmem>> -> memref<128xi32, #tpu.memory_space<vmem>>
    %dma_wait3A_27 = arith.constant 0 : i32
    %dma_wait3A_28 = arith.constant 0 : i32
    %dma_wait3A_29 = tpu.memref_slice %arg6[%dma_wait3A_27, %dma_wait3A_28] : memref<1000x128xf32, #tpu.memory_space<hbm>> -> memref<1000x128xf32, #tpu.memory_space<hbm>>
    tpu.wait_indirect_dma semaphore(%arg13 : memref<!tpu.dma_semaphore, #tpu.memory_space<semaphore_mem>>) src(%dma_wait3A_29 : memref<1000x128xf32, #tpu.memory_space<hbm>>) dst(%arg12 : memref<128x128xf32, #tpu.memory_space<vmem>>)
    %scan3A = arith.constant 0 : i32
    %scan3A_30 = arith.constant 0 : i32
    %scan3A_31 = arith.constant 128 : i32
    %scan3A_32 = arith.addi %scan3A_30, %scan3A_31 : i32
    %scan3A_33 = arith.constant 1 : i32
    scf.for %scan3A_153 = %scan3A_30 to %scan3A_32 step %scan3A_33  : i32 {
      %broadcast_in_dim3A_154 = arith.constant 0 : i32
      %broadcast_in_dim3A_155 = vector.broadcast %broadcast_in_dim3A_154 : i32 to vector<16xi32>
      %add3A_156 = arith.constant 0 : i32
      %add3A_157 = vector.broadcast %add3A_156 : i32 to vector<16xi32>
      %add3A_158 = arith.addi %broadcast_in_dim3A_155, %add3A_157 : vector<16xi32>
      %add3A_159 = vector.broadcast %scan3A_153 : i32 to vector<16xi32>
      %add3A_160 = arith.addi %broadcast_in_dim3A_155, %add3A_159 : vector<16xi32>
      %gather3A = tpu.vector_load_idx %arg10[%add3A_158, %add3A_160] : memref<4x128xi32, #tpu.memory_space<vmem>>[vector<16xi32>, vector<16xi32>], vector<16xi32>,
      %gt3A = arith.constant 0 : i32
      %gt3A_161 = vector.broadcast %gt3A : i32 to vector<16xi32>
      %gt3A_162 = arith.cmpi sgt, %gather3A, %gt3A_161 : vector<16xi32>
      %get3A = arith.index_cast %scan3A_153 : i32 to index
      %get3A_163 = arith.constant 64 : index
      %get3A_164 = tpu.vector_load %arg11[%get3A, %get3A_163] {strides = array<i32>} : memref<128x128xi32, #tpu.memory_space<vmem>>, vector<16xi32>,
      %get3A_165 = arith.index_cast %scan3A_153 : i32 to index
      %get3A_166 = arith.constant 0 : index
      %get3A_167 = tpu.vector_load %arg11[%get3A_165, %get3A_166] {strides = array<i32>} : memref<128x128xi32, #tpu.memory_space<vmem>>, vector<16xi32>,
      %select_n3A = arith.select %gt3A_162, %get3A_164, %get3A_167 : vector<16xi1>, vector<16xi32>
      %shift_left3A = arith.constant 16 : i32
      %shift_left3A_168 = vector.broadcast %shift_left3A : i32 to vector<16xi32>
      %shift_left3A_169 = arith.shli %select_n3A, %shift_left3A_168 : vector<16xi32>
      %bitcast3A = vector.bitcast %shift_left3A_169 : vector<16xi32> to vector<16xf32>
      %and3A = arith.andi %select_n3A, %broadcast_in_dim3A_3 : vector<16xi32>
      %bitcast3A_170 = vector.bitcast %and3A : vector<16xi32> to vector<16xf32>
      %get3A_171 = arith.index_cast %scan3A_153 : i32 to index
      %get3A_172 = arith.constant 0 : index
      %get3A_173 = tpu.vector_load %arg12[%get3A_171, %get3A_172] {strides = array<i32>} : memref<128x128xf32, #tpu.memory_space<vmem>>, vector<16xf32>,
      %get3A_174 = arith.index_cast %scan3A_153 : i32 to index
      %get3A_175 = arith.constant 64 : index
      %get3A_176 = tpu.vector_load %arg12[%get3A_174, %get3A_175] {strides = array<i32>} : memref<128x128xf32, #tpu.memory_space<vmem>>, vector<16xf32>,
      %mul3A_177 = arith.mulf %bitcast3A, %get3A_173 : vector<16xf32>
      %mul3A_178 = arith.mulf %bitcast3A_170, %get3A_176 : vector<16xf32>
      %sub3A = arith.subf %mul3A_177, %mul3A_178 : vector<16xf32>
      %swap3A = arith.index_cast %scan3A_153 : i32 to index
      %swap3A_179 = arith.constant 0 : index
      %swap3A_180 = tpu.vector_load %arg12[%swap3A, %swap3A_179] {strides = array<i32>} : memref<128x128xf32, #tpu.memory_space<vmem>>, vector<16xf32>,
      tpu.vector_store %arg12[%swap3A, %swap3A_179], %sub3A {strides = array<i32>} : memref<128x128xf32, #tpu.memory_space<vmem>>, vector<16xf32>,
      %mul3A_181 = arith.mulf %bitcast3A, %get3A_176 : vector<16xf32>
      %mul3A_182 = arith.mulf %bitcast3A_170, %get3A_173 : vector<16xf32>
      %add3A_183 = arith.addf %mul3A_181, %mul3A_182 : vector<16xf32>
      %swap3A_184 = arith.index_cast %scan3A_153 : i32 to index
      %swap3A_185 = arith.constant 64 : index
      %swap3A_186 = tpu.vector_load %arg12[%swap3A_184, %swap3A_185] {strides = array<i32>} : memref<128x128xf32, #tpu.memory_space<vmem>>, vector<16xf32>,
      tpu.vector_store %arg12[%swap3A_184, %swap3A_185], %add3A_183 {strides = array<i32>} : memref<128x128xf32, #tpu.memory_space<vmem>>, vector<16xf32>,
      %get3A_187 = arith.index_cast %scan3A_153 : i32 to index
      %get3A_188 = arith.constant 80 : index
      %get3A_189 = tpu.vector_load %arg11[%get3A_187, %get3A_188] {strides = array<i32>} : memref<128x128xi32, #tpu.memory_space<vmem>>, vector<16xi32>,
      %get3A_190 = arith.index_cast %scan3A_153 : i32 to index
      %get3A_191 = arith.constant 16 : index
      %get3A_192 = tpu.vector_load %arg11[%get3A_190, %get3A_191] {strides = array<i32>} : memref<128x128xi32, #tpu.memory_space<vmem>>, vector<16xi32>,
      %select_n3A_193 = arith.select %gt3A_162, %get3A_189, %get3A_192 : vector<16xi1>, vector<16xi32>
      %shift_left3A_194 = arith.constant 16 : i32
      %shift_left3A_195 = vector.broadcast %shift_left3A_194 : i32 to vector<16xi32>
      %shift_left3A_196 = arith.shli %select_n3A_193, %shift_left3A_195 : vector<16xi32>
      %bitcast3A_197 = vector.bitcast %shift_left3A_196 : vector<16xi32> to vector<16xf32>
      %and3A_198 = arith.andi %select_n3A_193, %broadcast_in_dim3A_3 : vector<16xi32>
      %bitcast3A_199 = vector.bitcast %and3A_198 : vector<16xi32> to vector<16xf32>
      %get3A_200 = arith.index_cast %scan3A_153 : i32 to index
      %get3A_201 = arith.constant 16 : index
      %get3A_202 = tpu.vector_load %arg12[%get3A_200, %get3A_201] {strides = array<i32>} : memref<128x128xf32, #tpu.memory_space<vmem>>, vector<16xf32>,
      %get3A_203 = arith.index_cast %scan3A_153 : i32 to index
      %get3A_204 = arith.constant 80 : index
      %get3A_205 = tpu.vector_load %arg12[%get3A_203, %get3A_204] {strides = array<i32>} : memref<128x128xf32, #tpu.memory_space<vmem>>, vector<16xf32>,
      %mul3A_206 = arith.mulf %bitcast3A_197, %get3A_202 : vector<16xf32>
      %mul3A_207 = arith.mulf %bitcast3A_199, %get3A_205 : vector<16xf32>
      %sub3A_208 = arith.subf %mul3A_206, %mul3A_207 : vector<16xf32>
      %swap3A_209 = arith.index_cast %scan3A_153 : i32 to index
      %swap3A_210 = arith.constant 16 : index
      %swap3A_211 = tpu.vector_load %arg12[%swap3A_209, %swap3A_210] {strides = array<i32>} : memref<128x128xf32, #tpu.memory_space<vmem>>, vector<16xf32>,
      tpu.vector_store %arg12[%swap3A_209, %swap3A_210], %sub3A_208 {strides = array<i32>} : memref<128x128xf32, #tpu.memory_space<vmem>>, vector<16xf32>,
      %mul3A_212 = arith.mulf %bitcast3A_197, %get3A_205 : vector<16xf32>
      %mul3A_213 = arith.mulf %bitcast3A_199, %get3A_202 : vector<16xf32>
      %add3A_214 = arith.addf %mul3A_212, %mul3A_213 : vector<16xf32>
      %swap3A_215 = arith.index_cast %scan3A_153 : i32 to index
      %swap3A_216 = arith.constant 80 : index
      %swap3A_217 = tpu.vector_load %arg12[%swap3A_215, %swap3A_216] {strides = array<i32>} : memref<128x128xf32, #tpu.memory_space<vmem>>, vector<16xf32>,
      tpu.vector_store %arg12[%swap3A_215, %swap3A_216], %add3A_214 {strides = array<i32>} : memref<128x128xf32, #tpu.memory_space<vmem>>, vector<16xf32>,
      %get3A_218 = arith.index_cast %scan3A_153 : i32 to index
      %get3A_219 = arith.constant 96 : index
      %get3A_220 = tpu.vector_load %arg11[%get3A_218, %get3A_219] {strides = array<i32>} : memref<128x128xi32, #tpu.memory_space<vmem>>, vector<16xi32>,
      %get3A_221 = arith.index_cast %scan3A_153 : i32 to index
      %get3A_222 = arith.constant 32 : index
      %get3A_223 = tpu.vector_load %arg11[%get3A_221, %get3A_222] {strides = array<i32>} : memref<128x128xi32, #tpu.memory_space<vmem>>, vector<16xi32>,
      %select_n3A_224 = arith.select %gt3A_162, %get3A_220, %get3A_223 : vector<16xi1>, vector<16xi32>
      %shift_left3A_225 = arith.constant 16 : i32
      %shift_left3A_226 = vector.broadcast %shift_left3A_225 : i32 to vector<16xi32>
      %shift_left3A_227 = arith.shli %select_n3A_224, %shift_left3A_226 : vector<16xi32>
      %bitcast3A_228 = vector.bitcast %shift_left3A_227 : vector<16xi32> to vector<16xf32>
      %and3A_229 = arith.andi %select_n3A_224, %broadcast_in_dim3A_3 : vector<16xi32>
      %bitcast3A_230 = vector.bitcast %and3A_229 : vector<16xi32> to vector<16xf32>
      %get3A_231 = arith.index_cast %scan3A_153 : i32 to index
      %get3A_232 = arith.constant 32 : index
      %get3A_233 = tpu.vector_load %arg12[%get3A_231, %get3A_232] {strides = array<i32>} : memref<128x128xf32, #tpu.memory_space<vmem>>, vector<16xf32>,
      %get3A_234 = arith.index_cast %scan3A_153 : i32 to index
      %get3A_235 = arith.constant 96 : index
      %get3A_236 = tpu.vector_load %arg12[%get3A_234, %get3A_235] {strides = array<i32>} : memref<128x128xf32, #tpu.memory_space<vmem>>, vector<16xf32>,
      %mul3A_237 = arith.mulf %bitcast3A_228, %get3A_233 : vector<16xf32>
      %mul3A_238 = arith.mulf %bitcast3A_230, %get3A_236 : vector<16xf32>
      %sub3A_239 = arith.subf %mul3A_237, %mul3A_238 : vector<16xf32>
      %swap3A_240 = arith.index_cast %scan3A_153 : i32 to index
      %swap3A_241 = arith.constant 32 : index
      %swap3A_242 = tpu.vector_load %arg12[%swap3A_240, %swap3A_241] {strides = array<i32>} : memref<128x128xf32, #tpu.memory_space<vmem>>, vector<16xf32>,
      tpu.vector_store %arg12[%swap3A_240, %swap3A_241], %sub3A_239 {strides = array<i32>} : memref<128x128xf32, #tpu.memory_space<vmem>>, vector<16xf32>,
      %mul3A_243 = arith.mulf %bitcast3A_228, %get3A_236 : vector<16xf32>
      %mul3A_244 = arith.mulf %bitcast3A_230, %get3A_233 : vector<16xf32>
      %add3A_245 = arith.addf %mul3A_243, %mul3A_244 : vector<16xf32>
      %swap3A_246 = arith.index_cast %scan3A_153 : i32 to index
      %swap3A_247 = arith.constant 96 : index
      %swap3A_248 = tpu.vector_load %arg12[%swap3A_246, %swap3A_247] {strides = array<i32>} : memref<128x128xf32, #tpu.memory_space<vmem>>, vector<16xf32>,
      tpu.vector_store %arg12[%swap3A_246, %swap3A_247], %add3A_245 {strides = array<i32>} : memref<128x128xf32, #tpu.memory_space<vmem>>, vector<16xf32>,
      %get3A_249 = arith.index_cast %scan3A_153 : i32 to index
      %get3A_250 = arith.constant 112 : index
      %get3A_251 = tpu.vector_load %arg11[%get3A_249, %get3A_250] {strides = array<i32>} : memref<128x128xi32, #tpu.memory_space<vmem>>, vector<16xi32>,
      %get3A_252 = arith.index_cast %scan3A_153 : i32 to index
      %get3A_253 = arith.constant 48 : index
      %get3A_254 = tpu.vector_load %arg11[%get3A_252, %get3A_253] {strides = array<i32>} : memref<128x128xi32, #tpu.memory_space<vmem>>, vector<16xi32>,
      %select_n3A_255 = arith.select %gt3A_162, %get3A_251, %get3A_254 : vector<16xi1>, vector<16xi32>
      %shift_left3A_256 = arith.constant 16 : i32
      %shift_left3A_257 = vector.broadcast %shift_left3A_256 : i32 to vector<16xi32>
      %shift_left3A_258 = arith.shli %select_n3A_255, %shift_left3A_257 : vector<16xi32>
      %bitcast3A_259 = vector.bitcast %shift_left3A_258 : vector<16xi32> to vector<16xf32>
      %and3A_260 = arith.andi %select_n3A_255, %broadcast_in_dim3A_3 : vector<16xi32>
      %bitcast3A_261 = vector.bitcast %and3A_260 : vector<16xi32> to vector<16xf32>
      %get3A_262 = arith.index_cast %scan3A_153 : i32 to index
      %get3A_263 = arith.constant 48 : index
      %get3A_264 = tpu.vector_load %arg12[%get3A_262, %get3A_263] {strides = array<i32>} : memref<128x128xf32, #tpu.memory_space<vmem>>, vector<16xf32>,
      %get3A_265 = arith.index_cast %scan3A_153 : i32 to index
      %get3A_266 = arith.constant 112 : index
      %get3A_267 = tpu.vector_load %arg12[%get3A_265, %get3A_266] {strides = array<i32>} : memref<128x128xf32, #tpu.memory_space<vmem>>, vector<16xf32>,
      %mul3A_268 = arith.mulf %bitcast3A_259, %get3A_264 : vector<16xf32>
      %mul3A_269 = arith.mulf %bitcast3A_261, %get3A_267 : vector<16xf32>
      %sub3A_270 = arith.subf %mul3A_268, %mul3A_269 : vector<16xf32>
      %swap3A_271 = arith.index_cast %scan3A_153 : i32 to index
      %swap3A_272 = arith.constant 48 : index
      %swap3A_273 = tpu.vector_load %arg12[%swap3A_271, %swap3A_272] {strides = array<i32>} : memref<128x128xf32, #tpu.memory_space<vmem>>, vector<16xf32>,
      tpu.vector_store %arg12[%swap3A_271, %swap3A_272], %sub3A_270 {strides = array<i32>} : memref<128x128xf32, #tpu.memory_space<vmem>>, vector<16xf32>,
      %mul3A_274 = arith.mulf %bitcast3A_259, %get3A_267 : vector<16xf32>
      %mul3A_275 = arith.mulf %bitcast3A_261, %get3A_264 : vector<16xf32>
      %add3A_276 = arith.addf %mul3A_274, %mul3A_275 : vector<16xf32>
      %swap3A_277 = arith.index_cast %scan3A_153 : i32 to index
      %swap3A_278 = arith.constant 112 : index
      %swap3A_279 = tpu.vector_load %arg12[%swap3A_277, %swap3A_278] {strides = array<i32>} : memref<128x128xf32, #tpu.memory_space<vmem>>, vector<16xf32>,
      tpu.vector_store %arg12[%swap3A_277, %swap3A_278], %add3A_276 {strides = array<i32>} : memref<128x128xf32, #tpu.memory_space<vmem>>, vector<16xf32>,
    }
    %scan3A_34 = arith.constant 128 : i32
    %add3A_35 = arith.constant 0 : i32
    %add3A_36 = arith.addi %mul3A_2, %add3A_35 : i32
    %mul3A_37 = arith.constant 128 : i32
    %mul3A_38 = arith.muli %add3A_36, %mul3A_37 : i32
    "tpu.region"() ({
      %run_scoped3A = tpu.sem_alloc : memref<!tpu.dma_semaphore, #tpu.memory_space<semaphore_mem>>
      %dma_start3A_153 = arith.constant 0 : i32
      %dma_start3A_154 = tpu.memref_slice %arg7[%mul3A_38, %dma_start3A_153] : memref<16384x128xf32, #tpu.memory_space<hbm>> -> memref<128x128xf32, #tpu.memory_space<hbm>>
      %dma_start3A_155 = arith.constant 0 : i32
      %dma_start3A_156 = tpu.memref_slice %arg7[%mul3A_38, %dma_start3A_155] : memref<16384x128xf32, #tpu.memory_space<hbm>> -> memref<128x128xf32, #tpu.memory_space<hbm>>
      tpu.enqueue_dma source(%arg12 : memref<128x128xf32, #tpu.memory_space<vmem>>) target(%dma_start3A_156 : memref<128x128xf32, #tpu.memory_space<hbm>>) target_semaphore(%run_scoped3A : memref<!tpu.dma_semaphore, #tpu.memory_space<semaphore_mem>>)
      %dma_wait3A_157 = arith.constant 0 : i32
      %dma_wait3A_158 = tpu.memref_slice %arg7[%mul3A_38, %dma_wait3A_157] : memref<16384x128xf32, #tpu.memory_space<hbm>> -> memref<128x128xf32, #tpu.memory_space<hbm>>
      %dma_wait3A_159 = arith.constant 0 : i32
      %dma_wait3A_160 = tpu.memref_slice %arg7[%mul3A_38, %dma_wait3A_159] : memref<16384x128xf32, #tpu.memory_space<hbm>> -> memref<128x128xf32, #tpu.memory_space<hbm>>
      tpu.wait_dma2 semaphore(%run_scoped3A : memref<!tpu.dma_semaphore, #tpu.memory_space<semaphore_mem>>) src(%arg12 : memref<128x128xf32, #tpu.memory_space<vmem>>) dst(%dma_wait3A_160 : memref<128x128xf32, #tpu.memory_space<hbm>>)
      tpu.yield
    }) : () -> ()
    %dma_start3A_39 = arith.constant 1 : i32
    %dma_start3A_40 = arith.constant 0 : i32
    %dma_start3A_41 = tpu.memref_slice %arg8[%dma_start3A_39, %dma_start3A_40] : memref<4x128xi32, #tpu.memory_space<vmem>> -> memref<1x128xi32, #tpu.memory_space<vmem>>
    %dma_start3A_42 = tpu.memref_squeeze %dma_start3A_41 : memref<1x128xi32, #tpu.memory_space<vmem>> -> memref<128xi32, #tpu.memory_space<vmem>>
    %dma_start3A_43 = arith.constant 0 : i32
    %dma_start3A_44 = arith.constant 0 : i32
    %dma_start3A_45 = tpu.memref_slice %arg5[%dma_start3A_43, %dma_start3A_44] : memref<507904x128xi32, #tpu.memory_space<hbm>> -> memref<507904x128xi32, #tpu.memory_space<hbm>>
    tpu.enqueue_indirect_dma source(%dma_start3A_45 : memref<507904x128xi32, #tpu.memory_space<hbm>>) target(%arg11 : memref<128x128xi32, #tpu.memory_space<vmem>>) offsets(%dma_start3A_42 : memref<128xi32, #tpu.memory_space<vmem>>) semaphore(%arg13 : memref<!tpu.dma_semaphore, #tpu.memory_space<semaphore_mem>>)
    %dma_start3A_46 = arith.constant 1 : i32
    %dma_start3A_47 = arith.constant 0 : i32
    %dma_start3A_48 = tpu.memref_slice %arg9[%dma_start3A_46, %dma_start3A_47] : memref<4x128xi32, #tpu.memory_space<vmem>> -> memref<1x128xi32, #tpu.memory_space<vmem>>
    %dma_start3A_49 = tpu.memref_squeeze %dma_start3A_48 : memref<1x128xi32, #tpu.memory_space<vmem>> -> memref<128xi32, #tpu.memory_space<vmem>>
    %dma_start3A_50 = arith.constant 0 : i32
    %dma_start3A_51 = arith.constant 0 : i32
    %dma_start3A_52 = tpu.memref_slice %arg6[%dma_start3A_50, %dma_start3A_51] : memref<1000x128xf32, #tpu.memory_space<hbm>> -> memref<1000x128xf32, #tpu.memory_space<hbm>>
    tpu.enqueue_indirect_dma source(%dma_start3A_52 : memref<1000x128xf32, #tpu.memory_space<hbm>>) target(%arg12 : memref<128x128xf32, #tpu.memory_space<vmem>>) offsets(%dma_start3A_49 : memref<128xi32, #tpu.memory_space<vmem>>) semaphore(%arg13 : memref<!tpu.dma_semaphore, #tpu.memory_space<semaphore_mem>>)
    %dma_wait3A_53 = arith.constant 1 : i32
    %dma_wait3A_54 = arith.constant 0 : i32
    %dma_wait3A_55 = tpu.memref_slice %arg8[%dma_wait3A_53, %dma_wait3A_54] : memref<4x128xi32, #tpu.memory_space<vmem>> -> memref<1x128xi32, #tpu.memory_space<vmem>>
    %dma_wait3A_56 = tpu.memref_squeeze %dma_wait3A_55 : memref<1x128xi32, #tpu.memory_space<vmem>> -> memref<128xi32, #tpu.memory_space<vmem>>
    %dma_wait3A_57 = arith.constant 0 : i32
    %dma_wait3A_58 = arith.constant 0 : i32
    %dma_wait3A_59 = tpu.memref_slice %arg5[%dma_wait3A_57, %dma_wait3A_58] : memref<507904x128xi32, #tpu.memory_space<hbm>> -> memref<507904x128xi32, #tpu.memory_space<hbm>>
    tpu.wait_indirect_dma semaphore(%arg13 : memref<!tpu.dma_semaphore, #tpu.memory_space<semaphore_mem>>) src(%dma_wait3A_59 : memref<507904x128xi32, #tpu.memory_space<hbm>>) dst(%arg11 : memref<128x128xi32, #tpu.memory_space<vmem>>)
    %dma_wait3A_60 = arith.constant 1 : i32
    %dma_wait3A_61 = arith.constant 0 : i32
    %dma_wait3A_62 = tpu.memref_slice %arg9[%dma_wait3A_60, %dma_wait3A_61] : memref<4x128xi32, #tpu.memory_space<vmem>> -> memref<1x128xi32, #tpu.memory_space<vmem>>
    %dma_wait3A_63 = tpu.memref_squeeze %dma_wait3A_62 : memref<1x128xi32, #tpu.memory_space<vmem>> -> memref<128xi32, #tpu.memory_space<vmem>>
    %dma_wait3A_64 = arith.constant 0 : i32
    %dma_wait3A_65 = arith.constant 0 : i32
    %dma_wait3A_66 = tpu.memref_slice %arg6[%dma_wait3A_64, %dma_wait3A_65] : memref<1000x128xf32, #tpu.memory_space<hbm>> -> memref<1000x128xf32, #tpu.memory_space<hbm>>
    tpu.wait_indirect_dma semaphore(%arg13 : memref<!tpu.dma_semaphore, #tpu.memory_space<semaphore_mem>>) src(%dma_wait3A_66 : memref<1000x128xf32, #tpu.memory_space<hbm>>) dst(%arg12 : memref<128x128xf32, #tpu.memory_space<vmem>>)
    %scan3A_67 = arith.constant 0 : i32
    %scan3A_68 = arith.constant 0 : i32
    %scan3A_69 = arith.constant 128 : i32
    %scan3A_70 = arith.addi %scan3A_68, %scan3A_69 : i32
    %scan3A_71 = arith.constant 1 : i32
    scf.for %scan3A_153 = %scan3A_68 to %scan3A_70 step %scan3A_71  : i32 {
      %broadcast_in_dim3A_154 = arith.constant 0 : i32
      %broadcast_in_dim3A_155 = vector.broadcast %broadcast_in_dim3A_154 : i32 to vector<16xi32>
      %add3A_156 = arith.constant 1 : i32
      %add3A_157 = vector.broadcast %add3A_156 : i32 to vector<16xi32>
      %add3A_158 = arith.addi %broadcast_in_dim3A_155, %add3A_157 : vector<16xi32>
      %add3A_159 = vector.broadcast %scan3A_153 : i32 to vector<16xi32>
      %add3A_160 = arith.addi %broadcast_in_dim3A_155, %add3A_159 : vector<16xi32>
      %gather3A = tpu.vector_load_idx %arg10[%add3A_158, %add3A_160] : memref<4x128xi32, #tpu.memory_space<vmem>>[vector<16xi32>, vector<16xi32>], vector<16xi32>,
      %gt3A = arith.constant 0 : i32
      %gt3A_161 = vector.broadcast %gt3A : i32 to vector<16xi32>
      %gt3A_162 = arith.cmpi sgt, %gather3A, %gt3A_161 : vector<16xi32>
      %get3A = arith.index_cast %scan3A_153 : i32 to index
      %get3A_163 = arith.constant 64 : index
      %get3A_164 = tpu.vector_load %arg11[%get3A, %get3A_163] {strides = array<i32>} : memref<128x128xi32, #tpu.memory_space<vmem>>, vector<16xi32>,
      %get3A_165 = arith.index_cast %scan3A_153 : i32 to index
      %get3A_166 = arith.constant 0 : index
      %get3A_167 = tpu.vector_load %arg11[%get3A_165, %get3A_166] {strides = array<i32>} : memref<128x128xi32, #tpu.memory_space<vmem>>, vector<16xi32>,
      %select_n3A = arith.select %gt3A_162, %get3A_164, %get3A_167 : vector<16xi1>, vector<16xi32>
      %shift_left3A = arith.constant 16 : i32
      %shift_left3A_168 = vector.broadcast %shift_left3A : i32 to vector<16xi32>
      %shift_left3A_169 = arith.shli %select_n3A, %shift_left3A_168 : vector<16xi32>
      %bitcast3A = vector.bitcast %shift_left3A_169 : vector<16xi32> to vector<16xf32>
      %and3A = arith.andi %select_n3A, %broadcast_in_dim3A_3 : vector<16xi32>
      %bitcast3A_170 = vector.bitcast %and3A : vector<16xi32> to vector<16xf32>
      %get3A_171 = arith.index_cast %scan3A_153 : i32 to index
      %get3A_172 = arith.constant 0 : index
      %get3A_173 = tpu.vector_load %arg12[%get3A_171, %get3A_172] {strides = array<i32>} : memref<128x128xf32, #tpu.memory_space<vmem>>, vector<16xf32>,
      %get3A_174 = arith.index_cast %scan3A_153 : i32 to index
      %get3A_175 = arith.constant 64 : index
      %get3A_176 = tpu.vector_load %arg12[%get3A_174, %get3A_175] {strides = array<i32>} : memref<128x128xf32, #tpu.memory_space<vmem>>, vector<16xf32>,
      %mul3A_177 = arith.mulf %bitcast3A, %get3A_173 : vector<16xf32>
      %mul3A_178 = arith.mulf %bitcast3A_170, %get3A_176 : vector<16xf32>
      %sub3A = arith.subf %mul3A_177, %mul3A_178 : vector<16xf32>
      %swap3A = arith.index_cast %scan3A_153 : i32 to index
      %swap3A_179 = arith.constant 0 : index
      %swap3A_180 = tpu.vector_load %arg12[%swap3A, %swap3A_179] {strides = array<i32>} : memref<128x128xf32, #tpu.memory_space<vmem>>, vector<16xf32>,
      tpu.vector_store %arg12[%swap3A, %swap3A_179], %sub3A {strides = array<i32>} : memref<128x128xf32, #tpu.memory_space<vmem>>, vector<16xf32>,
      %mul3A_181 = arith.mulf %bitcast3A, %get3A_176 : vector<16xf32>
      %mul3A_182 = arith.mulf %bitcast3A_170, %get3A_173 : vector<16xf32>
      %add3A_183 = arith.addf %mul3A_181, %mul3A_182 : vector<16xf32>
      %swap3A_184 = arith.index_cast %scan3A_153 : i32 to index
      %swap3A_185 = arith.constant 64 : index
      %swap3A_186 = tpu.vector_load %arg12[%swap3A_184, %swap3A_185] {strides = array<i32>} : memref<128x128xf32, #tpu.memory_space<vmem>>, vector<16xf32>,
      tpu.vector_store %arg12[%swap3A_184, %swap3A_185], %add3A_183 {strides = array<i32>} : memref<128x128xf32, #tpu.memory_space<vmem>>, vector<16xf32>,
      %get3A_187 = arith.index_cast %scan3A_153 : i32 to index
      %get3A_188 = arith.constant 80 : index
      %get3A_189 = tpu.vector_load %arg11[%get3A_187, %get3A_188] {strides = array<i32>} : memref<128x128xi32, #tpu.memory_space<vmem>>, vector<16xi32>,
      %get3A_190 = arith.index_cast %scan3A_153 : i32 to index
      %get3A_191 = arith.constant 16 : index
      %get3A_192 = tpu.vector_load %arg11[%get3A_190, %get3A_191] {strides = array<i32>} : memref<128x128xi32, #tpu.memory_space<vmem>>, vector<16xi32>,
      %select_n3A_193 = arith.select %gt3A_162, %get3A_189, %get3A_192 : vector<16xi1>, vector<16xi32>
      %shift_left3A_194 = arith.constant 16 : i32
      %shift_left3A_195 = vector.broadcast %shift_left3A_194 : i32 to vector<16xi32>
      %shift_left3A_196 = arith.shli %select_n3A_193, %shift_left3A_195 : vector<16xi32>
      %bitcast3A_197 = vector.bitcast %shift_left3A_196 : vector<16xi32> to vector<16xf32>
      %and3A_198 = arith.andi %select_n3A_193, %broadcast_in_dim3A_3 : vector<16xi32>
      %bitcast3A_199 = vector.bitcast %and3A_198 : vector<16xi32> to vector<16xf32>
      %get3A_200 = arith.index_cast %scan3A_153 : i32 to index
      %get3A_201 = arith.constant 16 : index
      %get3A_202 = tpu.vector_load %arg12[%get3A_200, %get3A_201] {strides = array<i32>} : memref<128x128xf32, #tpu.memory_space<vmem>>, vector<16xf32>,
      %get3A_203 = arith.index_cast %scan3A_153 : i32 to index
      %get3A_204 = arith.constant 80 : index
      %get3A_205 = tpu.vector_load %arg12[%get3A_203, %get3A_204] {strides = array<i32>} : memref<128x128xf32, #tpu.memory_space<vmem>>, vector<16xf32>,
      %mul3A_206 = arith.mulf %bitcast3A_197, %get3A_202 : vector<16xf32>
      %mul3A_207 = arith.mulf %bitcast3A_199, %get3A_205 : vector<16xf32>
      %sub3A_208 = arith.subf %mul3A_206, %mul3A_207 : vector<16xf32>
      %swap3A_209 = arith.index_cast %scan3A_153 : i32 to index
      %swap3A_210 = arith.constant 16 : index
      %swap3A_211 = tpu.vector_load %arg12[%swap3A_209, %swap3A_210] {strides = array<i32>} : memref<128x128xf32, #tpu.memory_space<vmem>>, vector<16xf32>,
      tpu.vector_store %arg12[%swap3A_209, %swap3A_210], %sub3A_208 {strides = array<i32>} : memref<128x128xf32, #tpu.memory_space<vmem>>, vector<16xf32>,
      %mul3A_212 = arith.mulf %bitcast3A_197, %get3A_205 : vector<16xf32>
      %mul3A_213 = arith.mulf %bitcast3A_199, %get3A_202 : vector<16xf32>
      %add3A_214 = arith.addf %mul3A_212, %mul3A_213 : vector<16xf32>
      %swap3A_215 = arith.index_cast %scan3A_153 : i32 to index
      %swap3A_216 = arith.constant 80 : index
      %swap3A_217 = tpu.vector_load %arg12[%swap3A_215, %swap3A_216] {strides = array<i32>} : memref<128x128xf32, #tpu.memory_space<vmem>>, vector<16xf32>,
      tpu.vector_store %arg12[%swap3A_215, %swap3A_216], %add3A_214 {strides = array<i32>} : memref<128x128xf32, #tpu.memory_space<vmem>>, vector<16xf32>,
      %get3A_218 = arith.index_cast %scan3A_153 : i32 to index
      %get3A_219 = arith.constant 96 : index
      %get3A_220 = tpu.vector_load %arg11[%get3A_218, %get3A_219] {strides = array<i32>} : memref<128x128xi32, #tpu.memory_space<vmem>>, vector<16xi32>,
      %get3A_221 = arith.index_cast %scan3A_153 : i32 to index
      %get3A_222 = arith.constant 32 : index
      %get3A_223 = tpu.vector_load %arg11[%get3A_221, %get3A_222] {strides = array<i32>} : memref<128x128xi32, #tpu.memory_space<vmem>>, vector<16xi32>,
      %select_n3A_224 = arith.select %gt3A_162, %get3A_220, %get3A_223 : vector<16xi1>, vector<16xi32>
      %shift_left3A_225 = arith.constant 16 : i32
      %shift_left3A_226 = vector.broadcast %shift_left3A_225 : i32 to vector<16xi32>
      %shift_left3A_227 = arith.shli %select_n3A_224, %shift_left3A_226 : vector<16xi32>
      %bitcast3A_228 = vector.bitcast %shift_left3A_227 : vector<16xi32> to vector<16xf32>
      %and3A_229 = arith.andi %select_n3A_224, %broadcast_in_dim3A_3 : vector<16xi32>
      %bitcast3A_230 = vector.bitcast %and3A_229 : vector<16xi32> to vector<16xf32>
      %get3A_231 = arith.index_cast %scan3A_153 : i32 to index
      %get3A_232 = arith.constant 32 : index
      %get3A_233 = tpu.vector_load %arg12[%get3A_231, %get3A_232] {strides = array<i32>} : memref<128x128xf32, #tpu.memory_space<vmem>>, vector<16xf32>,
      %get3A_234 = arith.index_cast %scan3A_153 : i32 to index
      %get3A_235 = arith.constant 96 : index
      %get3A_236 = tpu.vector_load %arg12[%get3A_234, %get3A_235] {strides = array<i32>} : memref<128x128xf32, #tpu.memory_space<vmem>>, vector<16xf32>,
      %mul3A_237 = arith.mulf %bitcast3A_228, %get3A_233 : vector<16xf32>
      %mul3A_238 = arith.mulf %bitcast3A_230, %get3A_236 : vector<16xf32>
      %sub3A_239 = arith.subf %mul3A_237, %mul3A_238 : vector<16xf32>
      %swap3A_240 = arith.index_cast %scan3A_153 : i32 to index
      %swap3A_241 = arith.constant 32 : index
      %swap3A_242 = tpu.vector_load %arg12[%swap3A_240, %swap3A_241] {strides = array<i32>} : memref<128x128xf32, #tpu.memory_space<vmem>>, vector<16xf32>,
      tpu.vector_store %arg12[%swap3A_240, %swap3A_241], %sub3A_239 {strides = array<i32>} : memref<128x128xf32, #tpu.memory_space<vmem>>, vector<16xf32>,
      %mul3A_243 = arith.mulf %bitcast3A_228, %get3A_236 : vector<16xf32>
      %mul3A_244 = arith.mulf %bitcast3A_230, %get3A_233 : vector<16xf32>
      %add3A_245 = arith.addf %mul3A_243, %mul3A_244 : vector<16xf32>
      %swap3A_246 = arith.index_cast %scan3A_153 : i32 to index
      %swap3A_247 = arith.constant 96 : index
      %swap3A_248 = tpu.vector_load %arg12[%swap3A_246, %swap3A_247] {strides = array<i32>} : memref<128x128xf32, #tpu.memory_space<vmem>>, vector<16xf32>,
      tpu.vector_store %arg12[%swap3A_246, %swap3A_247], %add3A_245 {strides = array<i32>} : memref<128x128xf32, #tpu.memory_space<vmem>>, vector<16xf32>,
      %get3A_249 = arith.index_cast %scan3A_153 : i32 to index
      %get3A_250 = arith.constant 112 : index
      %get3A_251 = tpu.vector_load %arg11[%get3A_249, %get3A_250] {strides = array<i32>} : memref<128x128xi32, #tpu.memory_space<vmem>>, vector<16xi32>,
      %get3A_252 = arith.index_cast %scan3A_153 : i32 to index
      %get3A_253 = arith.constant 48 : index
      %get3A_254 = tpu.vector_load %arg11[%get3A_252, %get3A_253] {strides = array<i32>} : memref<128x128xi32, #tpu.memory_space<vmem>>, vector<16xi32>,
      %select_n3A_255 = arith.select %gt3A_162, %get3A_251, %get3A_254 : vector<16xi1>, vector<16xi32>
      %shift_left3A_256 = arith.constant 16 : i32
      %shift_left3A_257 = vector.broadcast %shift_left3A_256 : i32 to vector<16xi32>
      %shift_left3A_258 = arith.shli %select_n3A_255, %shift_left3A_257 : vector<16xi32>
      %bitcast3A_259 = vector.bitcast %shift_left3A_258 : vector<16xi32> to vector<16xf32>
      %and3A_260 = arith.andi %select_n3A_255, %broadcast_in_dim3A_3 : vector<16xi32>
      %bitcast3A_261 = vector.bitcast %and3A_260 : vector<16xi32> to vector<16xf32>
      %get3A_262 = arith.index_cast %scan3A_153 : i32 to index
      %get3A_263 = arith.constant 48 : index
      %get3A_264 = tpu.vector_load %arg12[%get3A_262, %get3A_263] {strides = array<i32>} : memref<128x128xf32, #tpu.memory_space<vmem>>, vector<16xf32>,
      %get3A_265 = arith.index_cast %scan3A_153 : i32 to index
      %get3A_266 = arith.constant 112 : index
      %get3A_267 = tpu.vector_load %arg12[%get3A_265, %get3A_266] {strides = array<i32>} : memref<128x128xf32, #tpu.memory_space<vmem>>, vector<16xf32>,
      %mul3A_268 = arith.mulf %bitcast3A_259, %get3A_264 : vector<16xf32>
      %mul3A_269 = arith.mulf %bitcast3A_261, %get3A_267 : vector<16xf32>
      %sub3A_270 = arith.subf %mul3A_268, %mul3A_269 : vector<16xf32>
      %swap3A_271 = arith.index_cast %scan3A_153 : i32 to index
      %swap3A_272 = arith.constant 48 : index
      %swap3A_273 = tpu.vector_load %arg12[%swap3A_271, %swap3A_272] {strides = array<i32>} : memref<128x128xf32, #tpu.memory_space<vmem>>, vector<16xf32>,
      tpu.vector_store %arg12[%swap3A_271, %swap3A_272], %sub3A_270 {strides = array<i32>} : memref<128x128xf32, #tpu.memory_space<vmem>>, vector<16xf32>,
      %mul3A_274 = arith.mulf %bitcast3A_259, %get3A_267 : vector<16xf32>
      %mul3A_275 = arith.mulf %bitcast3A_261, %get3A_264 : vector<16xf32>
      %add3A_276 = arith.addf %mul3A_274, %mul3A_275 : vector<16xf32>
      %swap3A_277 = arith.index_cast %scan3A_153 : i32 to index
      %swap3A_278 = arith.constant 112 : index
      %swap3A_279 = tpu.vector_load %arg12[%swap3A_277, %swap3A_278] {strides = array<i32>} : memref<128x128xf32, #tpu.memory_space<vmem>>, vector<16xf32>,
      tpu.vector_store %arg12[%swap3A_277, %swap3A_278], %add3A_276 {strides = array<i32>} : memref<128x128xf32, #tpu.memory_space<vmem>>, vector<16xf32>,
    }
    %scan3A_72 = arith.constant 128 : i32
    %add3A_73 = arith.constant 1 : i32
    %add3A_74 = arith.addi %mul3A_2, %add3A_73 : i32
    %mul3A_75 = arith.constant 128 : i32
    %mul3A_76 = arith.muli %add3A_74, %mul3A_75 : i32
    "tpu.region"() ({
      %run_scoped3A = tpu.sem_alloc : memref<!tpu.dma_semaphore, #tpu.memory_space<semaphore_mem>>
      %dma_start3A_153 = arith.constant 0 : i32
      %dma_start3A_154 = tpu.memref_slice %arg7[%mul3A_76, %dma_start3A_153] : memref<16384x128xf32, #tpu.memory_space<hbm>> -> memref<128x128xf32, #tpu.memory_space<hbm>>
      %dma_start3A_155 = arith.constant 0 : i32
      %dma_start3A_156 = tpu.memref_slice %arg7[%mul3A_76, %dma_start3A_155] : memref<16384x128xf32, #tpu.memory_space<hbm>> -> memref<128x128xf32, #tpu.memory_space<hbm>>
      tpu.enqueue_dma source(%arg12 : memref<128x128xf32, #tpu.memory_space<vmem>>) target(%dma_start3A_156 : memref<128x128xf32, #tpu.memory_space<hbm>>) target_semaphore(%run_scoped3A : memref<!tpu.dma_semaphore, #tpu.memory_space<semaphore_mem>>)
      %dma_wait3A_157 = arith.constant 0 : i32
      %dma_wait3A_158 = tpu.memref_slice %arg7[%mul3A_76, %dma_wait3A_157] : memref<16384x128xf32, #tpu.memory_space<hbm>> -> memref<128x128xf32, #tpu.memory_space<hbm>>
      %dma_wait3A_159 = arith.constant 0 : i32
      %dma_wait3A_160 = tpu.memref_slice %arg7[%mul3A_76, %dma_wait3A_159] : memref<16384x128xf32, #tpu.memory_space<hbm>> -> memref<128x128xf32, #tpu.memory_space<hbm>>
      tpu.wait_dma2 semaphore(%run_scoped3A : memref<!tpu.dma_semaphore, #tpu.memory_space<semaphore_mem>>) src(%arg12 : memref<128x128xf32, #tpu.memory_space<vmem>>) dst(%dma_wait3A_160 : memref<128x128xf32, #tpu.memory_space<hbm>>)
      tpu.yield
    }) : () -> ()
    %dma_start3A_77 = arith.constant 2 : i32
    %dma_start3A_78 = arith.constant 0 : i32
    %dma_start3A_79 = tpu.memref_slice %arg8[%dma_start3A_77, %dma_start3A_78] : memref<4x128xi32, #tpu.memory_space<vmem>> -> memref<1x128xi32, #tpu.memory_space<vmem>>
    %dma_start3A_80 = tpu.memref_squeeze %dma_start3A_79 : memref<1x128xi32, #tpu.memory_space<vmem>> -> memref<128xi32, #tpu.memory_space<vmem>>
    %dma_start3A_81 = arith.constant 0 : i32
    %dma_start3A_82 = arith.constant 0 : i32
    %dma_start3A_83 = tpu.memref_slice %arg5[%dma_start3A_81, %dma_start3A_82] : memref<507904x128xi32, #tpu.memory_space<hbm>> -> memref<507904x128xi32, #tpu.memory_space<hbm>>
    tpu.enqueue_indirect_dma source(%dma_start3A_83 : memref<507904x128xi32, #tpu.memory_space<hbm>>) target(%arg11 : memref<128x128xi32, #tpu.memory_space<vmem>>) offsets(%dma_start3A_80 : memref<128xi32, #tpu.memory_space<vmem>>) semaphore(%arg13 : memref<!tpu.dma_semaphore, #tpu.memory_space<semaphore_mem>>)
    %dma_start3A_84 = arith.constant 2 : i32
    %dma_start3A_85 = arith.constant 0 : i32
    %dma_start3A_86 = tpu.memref_slice %arg9[%dma_start3A_84, %dma_start3A_85] : memref<4x128xi32, #tpu.memory_space<vmem>> -> memref<1x128xi32, #tpu.memory_space<vmem>>
    %dma_start3A_87 = tpu.memref_squeeze %dma_start3A_86 : memref<1x128xi32, #tpu.memory_space<vmem>> -> memref<128xi32, #tpu.memory_space<vmem>>
    %dma_start3A_88 = arith.constant 0 : i32
    %dma_start3A_89 = arith.constant 0 : i32
    %dma_start3A_90 = tpu.memref_slice %arg6[%dma_start3A_88, %dma_start3A_89] : memref<1000x128xf32, #tpu.memory_space<hbm>> -> memref<1000x128xf32, #tpu.memory_space<hbm>>
    tpu.enqueue_indirect_dma source(%dma_start3A_90 : memref<1000x128xf32, #tpu.memory_space<hbm>>) target(%arg12 : memref<128x128xf32, #tpu.memory_space<vmem>>) offsets(%dma_start3A_87 : memref<128xi32, #tpu.memory_space<vmem>>) semaphore(%arg13 : memref<!tpu.dma_semaphore, #tpu.memory_space<semaphore_mem>>)
    %dma_wait3A_91 = arith.constant 2 : i32
    %dma_wait3A_92 = arith.constant 0 : i32
    %dma_wait3A_93 = tpu.memref_slice %arg8[%dma_wait3A_91, %dma_wait3A_92] : memref<4x128xi32, #tpu.memory_space<vmem>> -> memref<1x128xi32, #tpu.memory_space<vmem>>
    %dma_wait3A_94 = tpu.memref_squeeze %dma_wait3A_93 : memref<1x128xi32, #tpu.memory_space<vmem>> -> memref<128xi32, #tpu.memory_space<vmem>>
    %dma_wait3A_95 = arith.constant 0 : i32
    %dma_wait3A_96 = arith.constant 0 : i32
    %dma_wait3A_97 = tpu.memref_slice %arg5[%dma_wait3A_95, %dma_wait3A_96] : memref<507904x128xi32, #tpu.memory_space<hbm>> -> memref<507904x128xi32, #tpu.memory_space<hbm>>
    tpu.wait_indirect_dma semaphore(%arg13 : memref<!tpu.dma_semaphore, #tpu.memory_space<semaphore_mem>>) src(%dma_wait3A_97 : memref<507904x128xi32, #tpu.memory_space<hbm>>) dst(%arg11 : memref<128x128xi32, #tpu.memory_space<vmem>>)
    %dma_wait3A_98 = arith.constant 2 : i32
    %dma_wait3A_99 = arith.constant 0 : i32
    %dma_wait3A_100 = tpu.memref_slice %arg9[%dma_wait3A_98, %dma_wait3A_99] : memref<4x128xi32, #tpu.memory_space<vmem>> -> memref<1x128xi32, #tpu.memory_space<vmem>>
    %dma_wait3A_101 = tpu.memref_squeeze %dma_wait3A_100 : memref<1x128xi32, #tpu.memory_space<vmem>> -> memref<128xi32, #tpu.memory_space<vmem>>
    %dma_wait3A_102 = arith.constant 0 : i32
    %dma_wait3A_103 = arith.constant 0 : i32
    %dma_wait3A_104 = tpu.memref_slice %arg6[%dma_wait3A_102, %dma_wait3A_103] : memref<1000x128xf32, #tpu.memory_space<hbm>> -> memref<1000x128xf32, #tpu.memory_space<hbm>>
    tpu.wait_indirect_dma semaphore(%arg13 : memref<!tpu.dma_semaphore, #tpu.memory_space<semaphore_mem>>) src(%dma_wait3A_104 : memref<1000x128xf32, #tpu.memory_space<hbm>>) dst(%arg12 : memref<128x128xf32, #tpu.memory_space<vmem>>)
    %scan3A_105 = arith.constant 0 : i32
    %scan3A_106 = arith.constant 0 : i32
    %scan3A_107 = arith.constant 128 : i32
    %scan3A_108 = arith.addi %scan3A_106, %scan3A_107 : i32
    %scan3A_109 = arith.constant 1 : i32
    scf.for %scan3A_153 = %scan3A_106 to %scan3A_108 step %scan3A_109  : i32 {
      %broadcast_in_dim3A_154 = arith.constant 0 : i32
      %broadcast_in_dim3A_155 = vector.broadcast %broadcast_in_dim3A_154 : i32 to vector<16xi32>
      %add3A_156 = arith.constant 2 : i32
      %add3A_157 = vector.broadcast %add3A_156 : i32 to vector<16xi32>
      %add3A_158 = arith.addi %broadcast_in_dim3A_155, %add3A_157 : vector<16xi32>
      %add3A_159 = vector.broadcast %scan3A_153 : i32 to vector<16xi32>
      %add3A_160 = arith.addi %broadcast_in_dim3A_155, %add3A_159 : vector<16xi32>
      %gather3A = tpu.vector_load_idx %arg10[%add3A_158, %add3A_160] : memref<4x128xi32, #tpu.memory_space<vmem>>[vector<16xi32>, vector<16xi32>], vector<16xi32>,
      %gt3A = arith.constant 0 : i32
      %gt3A_161 = vector.broadcast %gt3A : i32 to vector<16xi32>
      %gt3A_162 = arith.cmpi sgt, %gather3A, %gt3A_161 : vector<16xi32>
      %get3A = arith.index_cast %scan3A_153 : i32 to index
      %get3A_163 = arith.constant 64 : index
      %get3A_164 = tpu.vector_load %arg11[%get3A, %get3A_163] {strides = array<i32>} : memref<128x128xi32, #tpu.memory_space<vmem>>, vector<16xi32>,
      %get3A_165 = arith.index_cast %scan3A_153 : i32 to index
      %get3A_166 = arith.constant 0 : index
      %get3A_167 = tpu.vector_load %arg11[%get3A_165, %get3A_166] {strides = array<i32>} : memref<128x128xi32, #tpu.memory_space<vmem>>, vector<16xi32>,
      %select_n3A = arith.select %gt3A_162, %get3A_164, %get3A_167 : vector<16xi1>, vector<16xi32>
      %shift_left3A = arith.constant 16 : i32
      %shift_left3A_168 = vector.broadcast %shift_left3A : i32 to vector<16xi32>
      %shift_left3A_169 = arith.shli %select_n3A, %shift_left3A_168 : vector<16xi32>
      %bitcast3A = vector.bitcast %shift_left3A_169 : vector<16xi32> to vector<16xf32>
      %and3A = arith.andi %select_n3A, %broadcast_in_dim3A_3 : vector<16xi32>
      %bitcast3A_170 = vector.bitcast %and3A : vector<16xi32> to vector<16xf32>
      %get3A_171 = arith.index_cast %scan3A_153 : i32 to index
      %get3A_172 = arith.constant 0 : index
      %get3A_173 = tpu.vector_load %arg12[%get3A_171, %get3A_172] {strides = array<i32>} : memref<128x128xf32, #tpu.memory_space<vmem>>, vector<16xf32>,
      %get3A_174 = arith.index_cast %scan3A_153 : i32 to index
      %get3A_175 = arith.constant 64 : index
      %get3A_176 = tpu.vector_load %arg12[%get3A_174, %get3A_175] {strides = array<i32>} : memref<128x128xf32, #tpu.memory_space<vmem>>, vector<16xf32>,
      %mul3A_177 = arith.mulf %bitcast3A, %get3A_173 : vector<16xf32>
      %mul3A_178 = arith.mulf %bitcast3A_170, %get3A_176 : vector<16xf32>
      %sub3A = arith.subf %mul3A_177, %mul3A_178 : vector<16xf32>
      %swap3A = arith.index_cast %scan3A_153 : i32 to index
      %swap3A_179 = arith.constant 0 : index
      %swap3A_180 = tpu.vector_load %arg12[%swap3A, %swap3A_179] {strides = array<i32>} : memref<128x128xf32, #tpu.memory_space<vmem>>, vector<16xf32>,
      tpu.vector_store %arg12[%swap3A, %swap3A_179], %sub3A {strides = array<i32>} : memref<128x128xf32, #tpu.memory_space<vmem>>, vector<16xf32>,
      %mul3A_181 = arith.mulf %bitcast3A, %get3A_176 : vector<16xf32>
      %mul3A_182 = arith.mulf %bitcast3A_170, %get3A_173 : vector<16xf32>
      %add3A_183 = arith.addf %mul3A_181, %mul3A_182 : vector<16xf32>
      %swap3A_184 = arith.index_cast %scan3A_153 : i32 to index
      %swap3A_185 = arith.constant 64 : index
      %swap3A_186 = tpu.vector_load %arg12[%swap3A_184, %swap3A_185] {strides = array<i32>} : memref<128x128xf32, #tpu.memory_space<vmem>>, vector<16xf32>,
      tpu.vector_store %arg12[%swap3A_184, %swap3A_185], %add3A_183 {strides = array<i32>} : memref<128x128xf32, #tpu.memory_space<vmem>>, vector<16xf32>,
      %get3A_187 = arith.index_cast %scan3A_153 : i32 to index
      %get3A_188 = arith.constant 80 : index
      %get3A_189 = tpu.vector_load %arg11[%get3A_187, %get3A_188] {strides = array<i32>} : memref<128x128xi32, #tpu.memory_space<vmem>>, vector<16xi32>,
      %get3A_190 = arith.index_cast %scan3A_153 : i32 to index
      %get3A_191 = arith.constant 16 : index
      %get3A_192 = tpu.vector_load %arg11[%get3A_190, %get3A_191] {strides = array<i32>} : memref<128x128xi32, #tpu.memory_space<vmem>>, vector<16xi32>,
      %select_n3A_193 = arith.select %gt3A_162, %get3A_189, %get3A_192 : vector<16xi1>, vector<16xi32>
      %shift_left3A_194 = arith.constant 16 : i32
      %shift_left3A_195 = vector.broadcast %shift_left3A_194 : i32 to vector<16xi32>
      %shift_left3A_196 = arith.shli %select_n3A_193, %shift_left3A_195 : vector<16xi32>
      %bitcast3A_197 = vector.bitcast %shift_left3A_196 : vector<16xi32> to vector<16xf32>
      %and3A_198 = arith.andi %select_n3A_193, %broadcast_in_dim3A_3 : vector<16xi32>
      %bitcast3A_199 = vector.bitcast %and3A_198 : vector<16xi32> to vector<16xf32>
      %get3A_200 = arith.index_cast %scan3A_153 : i32 to index
      %get3A_201 = arith.constant 16 : index
      %get3A_202 = tpu.vector_load %arg12[%get3A_200, %get3A_201] {strides = array<i32>} : memref<128x128xf32, #tpu.memory_space<vmem>>, vector<16xf32>,
      %get3A_203 = arith.index_cast %scan3A_153 : i32 to index
      %get3A_204 = arith.constant 80 : index
      %get3A_205 = tpu.vector_load %arg12[%get3A_203, %get3A_204] {strides = array<i32>} : memref<128x128xf32, #tpu.memory_space<vmem>>, vector<16xf32>,
      %mul3A_206 = arith.mulf %bitcast3A_197, %get3A_202 : vector<16xf32>
      %mul3A_207 = arith.mulf %bitcast3A_199, %get3A_205 : vector<16xf32>
      %sub3A_208 = arith.subf %mul3A_206, %mul3A_207 : vector<16xf32>
      %swap3A_209 = arith.index_cast %scan3A_153 : i32 to index
      %swap3A_210 = arith.constant 16 : index
      %swap3A_211 = tpu.vector_load %arg12[%swap3A_209, %swap3A_210] {strides = array<i32>} : memref<128x128xf32, #tpu.memory_space<vmem>>, vector<16xf32>,
      tpu.vector_store %arg12[%swap3A_209, %swap3A_210], %sub3A_208 {strides = array<i32>} : memref<128x128xf32, #tpu.memory_space<vmem>>, vector<16xf32>,
      %mul3A_212 = arith.mulf %bitcast3A_197, %get3A_205 : vector<16xf32>
      %mul3A_213 = arith.mulf %bitcast3A_199, %get3A_202 : vector<16xf32>
      %add3A_214 = arith.addf %mul3A_212, %mul3A_213 : vector<16xf32>
      %swap3A_215 = arith.index_cast %scan3A_153 : i32 to index
      %swap3A_216 = arith.constant 80 : index
      %swap3A_217 = tpu.vector_load %arg12[%swap3A_215, %swap3A_216] {strides = array<i32>} : memref<128x128xf32, #tpu.memory_space<vmem>>, vector<16xf32>,
      tpu.vector_store %arg12[%swap3A_215, %swap3A_216], %add3A_214 {strides = array<i32>} : memref<128x128xf32, #tpu.memory_space<vmem>>, vector<16xf32>,
      %get3A_218 = arith.index_cast %scan3A_153 : i32 to index
      %get3A_219 = arith.constant 96 : index
      %get3A_220 = tpu.vector_load %arg11[%get3A_218, %get3A_219] {strides = array<i32>} : memref<128x128xi32, #tpu.memory_space<vmem>>, vector<16xi32>,
      %get3A_221 = arith.index_cast %scan3A_153 : i32 to index
      %get3A_222 = arith.constant 32 : index
      %get3A_223 = tpu.vector_load %arg11[%get3A_221, %get3A_222] {strides = array<i32>} : memref<128x128xi32, #tpu.memory_space<vmem>>, vector<16xi32>,
      %select_n3A_224 = arith.select %gt3A_162, %get3A_220, %get3A_223 : vector<16xi1>, vector<16xi32>
      %shift_left3A_225 = arith.constant 16 : i32
      %shift_left3A_226 = vector.broadcast %shift_left3A_225 : i32 to vector<16xi32>
      %shift_left3A_227 = arith.shli %select_n3A_224, %shift_left3A_226 : vector<16xi32>
      %bitcast3A_228 = vector.bitcast %shift_left3A_227 : vector<16xi32> to vector<16xf32>
      %and3A_229 = arith.andi %select_n3A_224, %broadcast_in_dim3A_3 : vector<16xi32>
      %bitcast3A_230 = vector.bitcast %and3A_229 : vector<16xi32> to vector<16xf32>
      %get3A_231 = arith.index_cast %scan3A_153 : i32 to index
      %get3A_232 = arith.constant 32 : index
      %get3A_233 = tpu.vector_load %arg12[%get3A_231, %get3A_232] {strides = array<i32>} : memref<128x128xf32, #tpu.memory_space<vmem>>, vector<16xf32>,
      %get3A_234 = arith.index_cast %scan3A_153 : i32 to index
      %get3A_235 = arith.constant 96 : index
      %get3A_236 = tpu.vector_load %arg12[%get3A_234, %get3A_235] {strides = array<i32>} : memref<128x128xf32, #tpu.memory_space<vmem>>, vector<16xf32>,
      %mul3A_237 = arith.mulf %bitcast3A_228, %get3A_233 : vector<16xf32>
      %mul3A_238 = arith.mulf %bitcast3A_230, %get3A_236 : vector<16xf32>
      %sub3A_239 = arith.subf %mul3A_237, %mul3A_238 : vector<16xf32>
      %swap3A_240 = arith.index_cast %scan3A_153 : i32 to index
      %swap3A_241 = arith.constant 32 : index
      %swap3A_242 = tpu.vector_load %arg12[%swap3A_240, %swap3A_241] {strides = array<i32>} : memref<128x128xf32, #tpu.memory_space<vmem>>, vector<16xf32>,
      tpu.vector_store %arg12[%swap3A_240, %swap3A_241], %sub3A_239 {strides = array<i32>} : memref<128x128xf32, #tpu.memory_space<vmem>>, vector<16xf32>,
      %mul3A_243 = arith.mulf %bitcast3A_228, %get3A_236 : vector<16xf32>
      %mul3A_244 = arith.mulf %bitcast3A_230, %get3A_233 : vector<16xf32>
      %add3A_245 = arith.addf %mul3A_243, %mul3A_244 : vector<16xf32>
      %swap3A_246 = arith.index_cast %scan3A_153 : i32 to index
      %swap3A_247 = arith.constant 96 : index
      %swap3A_248 = tpu.vector_load %arg12[%swap3A_246, %swap3A_247] {strides = array<i32>} : memref<128x128xf32, #tpu.memory_space<vmem>>, vector<16xf32>,
      tpu.vector_store %arg12[%swap3A_246, %swap3A_247], %add3A_245 {strides = array<i32>} : memref<128x128xf32, #tpu.memory_space<vmem>>, vector<16xf32>,
      %get3A_249 = arith.index_cast %scan3A_153 : i32 to index
      %get3A_250 = arith.constant 112 : index
      %get3A_251 = tpu.vector_load %arg11[%get3A_249, %get3A_250] {strides = array<i32>} : memref<128x128xi32, #tpu.memory_space<vmem>>, vector<16xi32>,
      %get3A_252 = arith.index_cast %scan3A_153 : i32 to index
      %get3A_253 = arith.constant 48 : index
      %get3A_254 = tpu.vector_load %arg11[%get3A_252, %get3A_253] {strides = array<i32>} : memref<128x128xi32, #tpu.memory_space<vmem>>, vector<16xi32>,
      %select_n3A_255 = arith.select %gt3A_162, %get3A_251, %get3A_254 : vector<16xi1>, vector<16xi32>
      %shift_left3A_256 = arith.constant 16 : i32
      %shift_left3A_257 = vector.broadcast %shift_left3A_256 : i32 to vector<16xi32>
      %shift_left3A_258 = arith.shli %select_n3A_255, %shift_left3A_257 : vector<16xi32>
      %bitcast3A_259 = vector.bitcast %shift_left3A_258 : vector<16xi32> to vector<16xf32>
      %and3A_260 = arith.andi %select_n3A_255, %broadcast_in_dim3A_3 : vector<16xi32>
      %bitcast3A_261 = vector.bitcast %and3A_260 : vector<16xi32> to vector<16xf32>
      %get3A_262 = arith.index_cast %scan3A_153 : i32 to index
      %get3A_263 = arith.constant 48 : index
      %get3A_264 = tpu.vector_load %arg12[%get3A_262, %get3A_263] {strides = array<i32>} : memref<128x128xf32, #tpu.memory_space<vmem>>, vector<16xf32>,
      %get3A_265 = arith.index_cast %scan3A_153 : i32 to index
      %get3A_266 = arith.constant 112 : index
      %get3A_267 = tpu.vector_load %arg12[%get3A_265, %get3A_266] {strides = array<i32>} : memref<128x128xf32, #tpu.memory_space<vmem>>, vector<16xf32>,
      %mul3A_268 = arith.mulf %bitcast3A_259, %get3A_264 : vector<16xf32>
      %mul3A_269 = arith.mulf %bitcast3A_261, %get3A_267 : vector<16xf32>
      %sub3A_270 = arith.subf %mul3A_268, %mul3A_269 : vector<16xf32>
      %swap3A_271 = arith.index_cast %scan3A_153 : i32 to index
      %swap3A_272 = arith.constant 48 : index
      %swap3A_273 = tpu.vector_load %arg12[%swap3A_271, %swap3A_272] {strides = array<i32>} : memref<128x128xf32, #tpu.memory_space<vmem>>, vector<16xf32>,
      tpu.vector_store %arg12[%swap3A_271, %swap3A_272], %sub3A_270 {strides = array<i32>} : memref<128x128xf32, #tpu.memory_space<vmem>>, vector<16xf32>,
      %mul3A_274 = arith.mulf %bitcast3A_259, %get3A_267 : vector<16xf32>
      %mul3A_275 = arith.mulf %bitcast3A_261, %get3A_264 : vector<16xf32>
      %add3A_276 = arith.addf %mul3A_274, %mul3A_275 : vector<16xf32>
      %swap3A_277 = arith.index_cast %scan3A_153 : i32 to index
      %swap3A_278 = arith.constant 112 : index
      %swap3A_279 = tpu.vector_load %arg12[%swap3A_277, %swap3A_278] {strides = array<i32>} : memref<128x128xf32, #tpu.memory_space<vmem>>, vector<16xf32>,
      tpu.vector_store %arg12[%swap3A_277, %swap3A_278], %add3A_276 {strides = array<i32>} : memref<128x128xf32, #tpu.memory_space<vmem>>, vector<16xf32>,
    }
    %scan3A_110 = arith.constant 128 : i32
    %add3A_111 = arith.constant 2 : i32
    %add3A_112 = arith.addi %mul3A_2, %add3A_111 : i32
    %mul3A_113 = arith.constant 128 : i32
    %mul3A_114 = arith.muli %add3A_112, %mul3A_113 : i32
    "tpu.region"() ({
      %run_scoped3A = tpu.sem_alloc : memref<!tpu.dma_semaphore, #tpu.memory_space<semaphore_mem>>
      %dma_start3A_153 = arith.constant 0 : i32
      %dma_start3A_154 = tpu.memref_slice %arg7[%mul3A_114, %dma_start3A_153] : memref<16384x128xf32, #tpu.memory_space<hbm>> -> memref<128x128xf32, #tpu.memory_space<hbm>>
      %dma_start3A_155 = arith.constant 0 : i32
      %dma_start3A_156 = tpu.memref_slice %arg7[%mul3A_114, %dma_start3A_155] : memref<16384x128xf32, #tpu.memory_space<hbm>> -> memref<128x128xf32, #tpu.memory_space<hbm>>
      tpu.enqueue_dma source(%arg12 : memref<128x128xf32, #tpu.memory_space<vmem>>) target(%dma_start3A_156 : memref<128x128xf32, #tpu.memory_space<hbm>>) target_semaphore(%run_scoped3A : memref<!tpu.dma_semaphore, #tpu.memory_space<semaphore_mem>>)
      %dma_wait3A_157 = arith.constant 0 : i32
      %dma_wait3A_158 = tpu.memref_slice %arg7[%mul3A_114, %dma_wait3A_157] : memref<16384x128xf32, #tpu.memory_space<hbm>> -> memref<128x128xf32, #tpu.memory_space<hbm>>
      %dma_wait3A_159 = arith.constant 0 : i32
      %dma_wait3A_160 = tpu.memref_slice %arg7[%mul3A_114, %dma_wait3A_159] : memref<16384x128xf32, #tpu.memory_space<hbm>> -> memref<128x128xf32, #tpu.memory_space<hbm>>
      tpu.wait_dma2 semaphore(%run_scoped3A : memref<!tpu.dma_semaphore, #tpu.memory_space<semaphore_mem>>) src(%arg12 : memref<128x128xf32, #tpu.memory_space<vmem>>) dst(%dma_wait3A_160 : memref<128x128xf32, #tpu.memory_space<hbm>>)
      tpu.yield
    }) : () -> ()
    %dma_start3A_115 = arith.constant 3 : i32
    %dma_start3A_116 = arith.constant 0 : i32
    %dma_start3A_117 = tpu.memref_slice %arg8[%dma_start3A_115, %dma_start3A_116] : memref<4x128xi32, #tpu.memory_space<vmem>> -> memref<1x128xi32, #tpu.memory_space<vmem>>
    %dma_start3A_118 = tpu.memref_squeeze %dma_start3A_117 : memref<1x128xi32, #tpu.memory_space<vmem>> -> memref<128xi32, #tpu.memory_space<vmem>>
    %dma_start3A_119 = arith.constant 0 : i32
    %dma_start3A_120 = arith.constant 0 : i32
    %dma_start3A_121 = tpu.memref_slice %arg5[%dma_start3A_119, %dma_start3A_120] : memref<507904x128xi32, #tpu.memory_space<hbm>> -> memref<507904x128xi32, #tpu.memory_space<hbm>>
    tpu.enqueue_indirect_dma source(%dma_start3A_121 : memref<507904x128xi32, #tpu.memory_space<hbm>>) target(%arg11 : memref<128x128xi32, #tpu.memory_space<vmem>>) offsets(%dma_start3A_118 : memref<128xi32, #tpu.memory_space<vmem>>) semaphore(%arg13 : memref<!tpu.dma_semaphore, #tpu.memory_space<semaphore_mem>>)
    %dma_start3A_122 = arith.constant 3 : i32
    %dma_start3A_123 = arith.constant 0 : i32
    %dma_start3A_124 = tpu.memref_slice %arg9[%dma_start3A_122, %dma_start3A_123] : memref<4x128xi32, #tpu.memory_space<vmem>> -> memref<1x128xi32, #tpu.memory_space<vmem>>
    %dma_start3A_125 = tpu.memref_squeeze %dma_start3A_124 : memref<1x128xi32, #tpu.memory_space<vmem>> -> memref<128xi32, #tpu.memory_space<vmem>>
    %dma_start3A_126 = arith.constant 0 : i32
    %dma_start3A_127 = arith.constant 0 : i32
    %dma_start3A_128 = tpu.memref_slice %arg6[%dma_start3A_126, %dma_start3A_127] : memref<1000x128xf32, #tpu.memory_space<hbm>> -> memref<1000x128xf32, #tpu.memory_space<hbm>>
    tpu.enqueue_indirect_dma source(%dma_start3A_128 : memref<1000x128xf32, #tpu.memory_space<hbm>>) target(%arg12 : memref<128x128xf32, #tpu.memory_space<vmem>>) offsets(%dma_start3A_125 : memref<128xi32, #tpu.memory_space<vmem>>) semaphore(%arg13 : memref<!tpu.dma_semaphore, #tpu.memory_space<semaphore_mem>>)
    %dma_wait3A_129 = arith.constant 3 : i32
    %dma_wait3A_130 = arith.constant 0 : i32
    %dma_wait3A_131 = tpu.memref_slice %arg8[%dma_wait3A_129, %dma_wait3A_130] : memref<4x128xi32, #tpu.memory_space<vmem>> -> memref<1x128xi32, #tpu.memory_space<vmem>>
    %dma_wait3A_132 = tpu.memref_squeeze %dma_wait3A_131 : memref<1x128xi32, #tpu.memory_space<vmem>> -> memref<128xi32, #tpu.memory_space<vmem>>
    %dma_wait3A_133 = arith.constant 0 : i32
    %dma_wait3A_134 = arith.constant 0 : i32
    %dma_wait3A_135 = tpu.memref_slice %arg5[%dma_wait3A_133, %dma_wait3A_134] : memref<507904x128xi32, #tpu.memory_space<hbm>> -> memref<507904x128xi32, #tpu.memory_space<hbm>>
    tpu.wait_indirect_dma semaphore(%arg13 : memref<!tpu.dma_semaphore, #tpu.memory_space<semaphore_mem>>) src(%dma_wait3A_135 : memref<507904x128xi32, #tpu.memory_space<hbm>>) dst(%arg11 : memref<128x128xi32, #tpu.memory_space<vmem>>)
    %dma_wait3A_136 = arith.constant 3 : i32
    %dma_wait3A_137 = arith.constant 0 : i32
    %dma_wait3A_138 = tpu.memref_slice %arg9[%dma_wait3A_136, %dma_wait3A_137] : memref<4x128xi32, #tpu.memory_space<vmem>> -> memref<1x128xi32, #tpu.memory_space<vmem>>
    %dma_wait3A_139 = tpu.memref_squeeze %dma_wait3A_138 : memref<1x128xi32, #tpu.memory_space<vmem>> -> memref<128xi32, #tpu.memory_space<vmem>>
    %dma_wait3A_140 = arith.constant 0 : i32
    %dma_wait3A_141 = arith.constant 0 : i32
    %dma_wait3A_142 = tpu.memref_slice %arg6[%dma_wait3A_140, %dma_wait3A_141] : memref<1000x128xf32, #tpu.memory_space<hbm>> -> memref<1000x128xf32, #tpu.memory_space<hbm>>
    tpu.wait_indirect_dma semaphore(%arg13 : memref<!tpu.dma_semaphore, #tpu.memory_space<semaphore_mem>>) src(%dma_wait3A_142 : memref<1000x128xf32, #tpu.memory_space<hbm>>) dst(%arg12 : memref<128x128xf32, #tpu.memory_space<vmem>>)
    %scan3A_143 = arith.constant 0 : i32
    %scan3A_144 = arith.constant 0 : i32
    %scan3A_145 = arith.constant 128 : i32
    %scan3A_146 = arith.addi %scan3A_144, %scan3A_145 : i32
    %scan3A_147 = arith.constant 1 : i32
    scf.for %scan3A_153 = %scan3A_144 to %scan3A_146 step %scan3A_147  : i32 {
      %broadcast_in_dim3A_154 = arith.constant 0 : i32
      %broadcast_in_dim3A_155 = vector.broadcast %broadcast_in_dim3A_154 : i32 to vector<16xi32>
      %add3A_156 = arith.constant 3 : i32
      %add3A_157 = vector.broadcast %add3A_156 : i32 to vector<16xi32>
      %add3A_158 = arith.addi %broadcast_in_dim3A_155, %add3A_157 : vector<16xi32>
      %add3A_159 = vector.broadcast %scan3A_153 : i32 to vector<16xi32>
      %add3A_160 = arith.addi %broadcast_in_dim3A_155, %add3A_159 : vector<16xi32>
      %gather3A = tpu.vector_load_idx %arg10[%add3A_158, %add3A_160] : memref<4x128xi32, #tpu.memory_space<vmem>>[vector<16xi32>, vector<16xi32>], vector<16xi32>,
      %gt3A = arith.constant 0 : i32
      %gt3A_161 = vector.broadcast %gt3A : i32 to vector<16xi32>
      %gt3A_162 = arith.cmpi sgt, %gather3A, %gt3A_161 : vector<16xi32>
      %get3A = arith.index_cast %scan3A_153 : i32 to index
      %get3A_163 = arith.constant 64 : index
      %get3A_164 = tpu.vector_load %arg11[%get3A, %get3A_163] {strides = array<i32>} : memref<128x128xi32, #tpu.memory_space<vmem>>, vector<16xi32>,
      %get3A_165 = arith.index_cast %scan3A_153 : i32 to index
      %get3A_166 = arith.constant 0 : index
      %get3A_167 = tpu.vector_load %arg11[%get3A_165, %get3A_166] {strides = array<i32>} : memref<128x128xi32, #tpu.memory_space<vmem>>, vector<16xi32>,
      %select_n3A = arith.select %gt3A_162, %get3A_164, %get3A_167 : vector<16xi1>, vector<16xi32>
      %shift_left3A = arith.constant 16 : i32
      %shift_left3A_168 = vector.broadcast %shift_left3A : i32 to vector<16xi32>
      %shift_left3A_169 = arith.shli %select_n3A, %shift_left3A_168 : vector<16xi32>
      %bitcast3A = vector.bitcast %shift_left3A_169 : vector<16xi32> to vector<16xf32>
      %and3A = arith.andi %select_n3A, %broadcast_in_dim3A_3 : vector<16xi32>
      %bitcast3A_170 = vector.bitcast %and3A : vector<16xi32> to vector<16xf32>
      %get3A_171 = arith.index_cast %scan3A_153 : i32 to index
      %get3A_172 = arith.constant 0 : index
      %get3A_173 = tpu.vector_load %arg12[%get3A_171, %get3A_172] {strides = array<i32>} : memref<128x128xf32, #tpu.memory_space<vmem>>, vector<16xf32>,
      %get3A_174 = arith.index_cast %scan3A_153 : i32 to index
      %get3A_175 = arith.constant 64 : index
      %get3A_176 = tpu.vector_load %arg12[%get3A_174, %get3A_175] {strides = array<i32>} : memref<128x128xf32, #tpu.memory_space<vmem>>, vector<16xf32>,
      %mul3A_177 = arith.mulf %bitcast3A, %get3A_173 : vector<16xf32>
      %mul3A_178 = arith.mulf %bitcast3A_170, %get3A_176 : vector<16xf32>
      %sub3A = arith.subf %mul3A_177, %mul3A_178 : vector<16xf32>
      %swap3A = arith.index_cast %scan3A_153 : i32 to index
      %swap3A_179 = arith.constant 0 : index
      %swap3A_180 = tpu.vector_load %arg12[%swap3A, %swap3A_179] {strides = array<i32>} : memref<128x128xf32, #tpu.memory_space<vmem>>, vector<16xf32>,
      tpu.vector_store %arg12[%swap3A, %swap3A_179], %sub3A {strides = array<i32>} : memref<128x128xf32, #tpu.memory_space<vmem>>, vector<16xf32>,
      %mul3A_181 = arith.mulf %bitcast3A, %get3A_176 : vector<16xf32>
      %mul3A_182 = arith.mulf %bitcast3A_170, %get3A_173 : vector<16xf32>
      %add3A_183 = arith.addf %mul3A_181, %mul3A_182 : vector<16xf32>
      %swap3A_184 = arith.index_cast %scan3A_153 : i32 to index
      %swap3A_185 = arith.constant 64 : index
      %swap3A_186 = tpu.vector_load %arg12[%swap3A_184, %swap3A_185] {strides = array<i32>} : memref<128x128xf32, #tpu.memory_space<vmem>>, vector<16xf32>,
      tpu.vector_store %arg12[%swap3A_184, %swap3A_185], %add3A_183 {strides = array<i32>} : memref<128x128xf32, #tpu.memory_space<vmem>>, vector<16xf32>,
      %get3A_187 = arith.index_cast %scan3A_153 : i32 to index
      %get3A_188 = arith.constant 80 : index
      %get3A_189 = tpu.vector_load %arg11[%get3A_187, %get3A_188] {strides = array<i32>} : memref<128x128xi32, #tpu.memory_space<vmem>>, vector<16xi32>,
      %get3A_190 = arith.index_cast %scan3A_153 : i32 to index
      %get3A_191 = arith.constant 16 : index
      %get3A_192 = tpu.vector_load %arg11[%get3A_190, %get3A_191] {strides = array<i32>} : memref<128x128xi32, #tpu.memory_space<vmem>>, vector<16xi32>,
      %select_n3A_193 = arith.select %gt3A_162, %get3A_189, %get3A_192 : vector<16xi1>, vector<16xi32>
      %shift_left3A_194 = arith.constant 16 : i32
      %shift_left3A_195 = vector.broadcast %shift_left3A_194 : i32 to vector<16xi32>
      %shift_left3A_196 = arith.shli %select_n3A_193, %shift_left3A_195 : vector<16xi32>
      %bitcast3A_197 = vector.bitcast %shift_left3A_196 : vector<16xi32> to vector<16xf32>
      %and3A_198 = arith.andi %select_n3A_193, %broadcast_in_dim3A_3 : vector<16xi32>
      %bitcast3A_199 = vector.bitcast %and3A_198 : vector<16xi32> to vector<16xf32>
      %get3A_200 = arith.index_cast %scan3A_153 : i32 to index
      %get3A_201 = arith.constant 16 : index
      %get3A_202 = tpu.vector_load %arg12[%get3A_200, %get3A_201] {strides = array<i32>} : memref<128x128xf32, #tpu.memory_space<vmem>>, vector<16xf32>,
      %get3A_203 = arith.index_cast %scan3A_153 : i32 to index
      %get3A_204 = arith.constant 80 : index
      %get3A_205 = tpu.vector_load %arg12[%get3A_203, %get3A_204] {strides = array<i32>} : memref<128x128xf32, #tpu.memory_space<vmem>>, vector<16xf32>,
      %mul3A_206 = arith.mulf %bitcast3A_197, %get3A_202 : vector<16xf32>
      %mul3A_207 = arith.mulf %bitcast3A_199, %get3A_205 : vector<16xf32>
      %sub3A_208 = arith.subf %mul3A_206, %mul3A_207 : vector<16xf32>
      %swap3A_209 = arith.index_cast %scan3A_153 : i32 to index
      %swap3A_210 = arith.constant 16 : index
      %swap3A_211 = tpu.vector_load %arg12[%swap3A_209, %swap3A_210] {strides = array<i32>} : memref<128x128xf32, #tpu.memory_space<vmem>>, vector<16xf32>,
      tpu.vector_store %arg12[%swap3A_209, %swap3A_210], %sub3A_208 {strides = array<i32>} : memref<128x128xf32, #tpu.memory_space<vmem>>, vector<16xf32>,
      %mul3A_212 = arith.mulf %bitcast3A_197, %get3A_205 : vector<16xf32>
      %mul3A_213 = arith.mulf %bitcast3A_199, %get3A_202 : vector<16xf32>
      %add3A_214 = arith.addf %mul3A_212, %mul3A_213 : vector<16xf32>
      %swap3A_215 = arith.index_cast %scan3A_153 : i32 to index
      %swap3A_216 = arith.constant 80 : index
      %swap3A_217 = tpu.vector_load %arg12[%swap3A_215, %swap3A_216] {strides = array<i32>} : memref<128x128xf32, #tpu.memory_space<vmem>>, vector<16xf32>,
      tpu.vector_store %arg12[%swap3A_215, %swap3A_216], %add3A_214 {strides = array<i32>} : memref<128x128xf32, #tpu.memory_space<vmem>>, vector<16xf32>,
      %get3A_218 = arith.index_cast %scan3A_153 : i32 to index
      %get3A_219 = arith.constant 96 : index
      %get3A_220 = tpu.vector_load %arg11[%get3A_218, %get3A_219] {strides = array<i32>} : memref<128x128xi32, #tpu.memory_space<vmem>>, vector<16xi32>,
      %get3A_221 = arith.index_cast %scan3A_153 : i32 to index
      %get3A_222 = arith.constant 32 : index
      %get3A_223 = tpu.vector_load %arg11[%get3A_221, %get3A_222] {strides = array<i32>} : memref<128x128xi32, #tpu.memory_space<vmem>>, vector<16xi32>,
      %select_n3A_224 = arith.select %gt3A_162, %get3A_220, %get3A_223 : vector<16xi1>, vector<16xi32>
      %shift_left3A_225 = arith.constant 16 : i32
      %shift_left3A_226 = vector.broadcast %shift_left3A_225 : i32 to vector<16xi32>
      %shift_left3A_227 = arith.shli %select_n3A_224, %shift_left3A_226 : vector<16xi32>
      %bitcast3A_228 = vector.bitcast %shift_left3A_227 : vector<16xi32> to vector<16xf32>
      %and3A_229 = arith.andi %select_n3A_224, %broadcast_in_dim3A_3 : vector<16xi32>
      %bitcast3A_230 = vector.bitcast %and3A_229 : vector<16xi32> to vector<16xf32>
      %get3A_231 = arith.index_cast %scan3A_153 : i32 to index
      %get3A_232 = arith.constant 32 : index
      %get3A_233 = tpu.vector_load %arg12[%get3A_231, %get3A_232] {strides = array<i32>} : memref<128x128xf32, #tpu.memory_space<vmem>>, vector<16xf32>,
      %get3A_234 = arith.index_cast %scan3A_153 : i32 to index
      %get3A_235 = arith.constant 96 : index
      %get3A_236 = tpu.vector_load %arg12[%get3A_234, %get3A_235] {strides = array<i32>} : memref<128x128xf32, #tpu.memory_space<vmem>>, vector<16xf32>,
      %mul3A_237 = arith.mulf %bitcast3A_228, %get3A_233 : vector<16xf32>
      %mul3A_238 = arith.mulf %bitcast3A_230, %get3A_236 : vector<16xf32>
      %sub3A_239 = arith.subf %mul3A_237, %mul3A_238 : vector<16xf32>
      %swap3A_240 = arith.index_cast %scan3A_153 : i32 to index
      %swap3A_241 = arith.constant 32 : index
      %swap3A_242 = tpu.vector_load %arg12[%swap3A_240, %swap3A_241] {strides = array<i32>} : memref<128x128xf32, #tpu.memory_space<vmem>>, vector<16xf32>,
      tpu.vector_store %arg12[%swap3A_240, %swap3A_241], %sub3A_239 {strides = array<i32>} : memref<128x128xf32, #tpu.memory_space<vmem>>, vector<16xf32>,
      %mul3A_243 = arith.mulf %bitcast3A_228, %get3A_236 : vector<16xf32>
      %mul3A_244 = arith.mulf %bitcast3A_230, %get3A_233 : vector<16xf32>
      %add3A_245 = arith.addf %mul3A_243, %mul3A_244 : vector<16xf32>
      %swap3A_246 = arith.index_cast %scan3A_153 : i32 to index
      %swap3A_247 = arith.constant 96 : index
      %swap3A_248 = tpu.vector_load %arg12[%swap3A_246, %swap3A_247] {strides = array<i32>} : memref<128x128xf32, #tpu.memory_space<vmem>>, vector<16xf32>,
      tpu.vector_store %arg12[%swap3A_246, %swap3A_247], %add3A_245 {strides = array<i32>} : memref<128x128xf32, #tpu.memory_space<vmem>>, vector<16xf32>,
      %get3A_249 = arith.index_cast %scan3A_153 : i32 to index
      %get3A_250 = arith.constant 112 : index
      %get3A_251 = tpu.vector_load %arg11[%get3A_249, %get3A_250] {strides = array<i32>} : memref<128x128xi32, #tpu.memory_space<vmem>>, vector<16xi32>,
      %get3A_252 = arith.index_cast %scan3A_153 : i32 to index
      %get3A_253 = arith.constant 48 : index
      %get3A_254 = tpu.vector_load %arg11[%get3A_252, %get3A_253] {strides = array<i32>} : memref<128x128xi32, #tpu.memory_space<vmem>>, vector<16xi32>,
      %select_n3A_255 = arith.select %gt3A_162, %get3A_251, %get3A_254 : vector<16xi1>, vector<16xi32>
      %shift_left3A_256 = arith.constant 16 : i32
      %shift_left3A_257 = vector.broadcast %shift_left3A_256 : i32 to vector<16xi32>
      %shift_left3A_258 = arith.shli %select_n3A_255, %shift_left3A_257 : vector<16xi32>
      %bitcast3A_259 = vector.bitcast %shift_left3A_258 : vector<16xi32> to vector<16xf32>
      %and3A_260 = arith.andi %select_n3A_255, %broadcast_in_dim3A_3 : vector<16xi32>
      %bitcast3A_261 = vector.bitcast %and3A_260 : vector<16xi32> to vector<16xf32>
      %get3A_262 = arith.index_cast %scan3A_153 : i32 to index
      %get3A_263 = arith.constant 48 : index
      %get3A_264 = tpu.vector_load %arg12[%get3A_262, %get3A_263] {strides = array<i32>} : memref<128x128xf32, #tpu.memory_space<vmem>>, vector<16xf32>,
      %get3A_265 = arith.index_cast %scan3A_153 : i32 to index
      %get3A_266 = arith.constant 112 : index
      %get3A_267 = tpu.vector_load %arg12[%get3A_265, %get3A_266] {strides = array<i32>} : memref<128x128xf32, #tpu.memory_space<vmem>>, vector<16xf32>,
      %mul3A_268 = arith.mulf %bitcast3A_259, %get3A_264 : vector<16xf32>
      %mul3A_269 = arith.mulf %bitcast3A_261, %get3A_267 : vector<16xf32>
      %sub3A_270 = arith.subf %mul3A_268, %mul3A_269 : vector<16xf32>
      %swap3A_271 = arith.index_cast %scan3A_153 : i32 to index
      %swap3A_272 = arith.constant 48 : index
      %swap3A_273 = tpu.vector_load %arg12[%swap3A_271, %swap3A_272] {strides = array<i32>} : memref<128x128xf32, #tpu.memory_space<vmem>>, vector<16xf32>,
      tpu.vector_store %arg12[%swap3A_271, %swap3A_272], %sub3A_270 {strides = array<i32>} : memref<128x128xf32, #tpu.memory_space<vmem>>, vector<16xf32>,
      %mul3A_274 = arith.mulf %bitcast3A_259, %get3A_267 : vector<16xf32>
      %mul3A_275 = arith.mulf %bitcast3A_261, %get3A_264 : vector<16xf32>
      %add3A_276 = arith.addf %mul3A_274, %mul3A_275 : vector<16xf32>
      %swap3A_277 = arith.index_cast %scan3A_153 : i32 to index
      %swap3A_278 = arith.constant 112 : index
      %swap3A_279 = tpu.vector_load %arg12[%swap3A_277, %swap3A_278] {strides = array<i32>} : memref<128x128xf32, #tpu.memory_space<vmem>>, vector<16xf32>,
      tpu.vector_store %arg12[%swap3A_277, %swap3A_278], %add3A_276 {strides = array<i32>} : memref<128x128xf32, #tpu.memory_space<vmem>>, vector<16xf32>,
    }
    %scan3A_148 = arith.constant 128 : i32
    %add3A_149 = arith.constant 3 : i32
    %add3A_150 = arith.addi %mul3A_2, %add3A_149 : i32
    %mul3A_151 = arith.constant 128 : i32
    %mul3A_152 = arith.muli %add3A_150, %mul3A_151 : i32
    "tpu.region"() ({
      %run_scoped3A = tpu.sem_alloc : memref<!tpu.dma_semaphore, #tpu.memory_space<semaphore_mem>>
      %dma_start3A_153 = arith.constant 0 : i32
      %dma_start3A_154 = tpu.memref_slice %arg7[%mul3A_152, %dma_start3A_153] : memref<16384x128xf32, #tpu.memory_space<hbm>> -> memref<128x128xf32, #tpu.memory_space<hbm>>
      %dma_start3A_155 = arith.constant 0 : i32
      %dma_start3A_156 = tpu.memref_slice %arg7[%mul3A_152, %dma_start3A_155] : memref<16384x128xf32, #tpu.memory_space<hbm>> -> memref<128x128xf32, #tpu.memory_space<hbm>>
      tpu.enqueue_dma source(%arg12 : memref<128x128xf32, #tpu.memory_space<vmem>>) target(%dma_start3A_156 : memref<128x128xf32, #tpu.memory_space<hbm>>) target_semaphore(%run_scoped3A : memref<!tpu.dma_semaphore, #tpu.memory_space<semaphore_mem>>)
      %dma_wait3A_157 = arith.constant 0 : i32
      %dma_wait3A_158 = tpu.memref_slice %arg7[%mul3A_152, %dma_wait3A_157] : memref<16384x128xf32, #tpu.memory_space<hbm>> -> memref<128x128xf32, #tpu.memory_space<hbm>>
      %dma_wait3A_159 = arith.constant 0 : i32
      %dma_wait3A_160 = tpu.memref_slice %arg7[%mul3A_152, %dma_wait3A_159] : memref<16384x128xf32, #tpu.memory_space<hbm>> -> memref<128x128xf32, #tpu.memory_space<hbm>>
      tpu.wait_dma2 semaphore(%run_scoped3A : memref<!tpu.dma_semaphore, #tpu.memory_space<semaphore_mem>>) src(%arg12 : memref<128x128xf32, #tpu.memory_space<vmem>>) dst(%dma_wait3A_160 : memref<128x128xf32, #tpu.memory_space<hbm>>)
      tpu.yield
    }) : () -> ()
    return
  }
}

module attributes {stable_mosaic.version = 14 : i64} {
  func.func @_trig_body(%arg0: memref<1000x64xf32, #tpu.memory_space<vmem>>, %arg1: memref<1000x128xf32, #tpu.memory_space<vmem>>) attributes {dimension_semantics = [], scalar_prefetch = 0 : i64, scratch_operands = 0 : i64, tpu.core_type = #tpu.core_type<tc>} {
    %get3A = arith.constant 0 : index
    %get3A_0 = arith.constant 0 : index
    %get3A_1 = vector.load %arg0[%get3A, %get3A_0] : memref<1000x64xf32, #tpu.memory_space<vmem>>, vector<1000x64xf32>
    %cos3A = math.cos %get3A_1 : vector<1000x64xf32>
    %sin3A = math.sin %get3A_1 : vector<1000x64xf32>
    %concatenate3A = tpu.concatenate %cos3A, %sin3A in 1 : vector<1000x64xf32>, vector<1000x64xf32> -> vector<1000x128xf32>
    %swap3A = arith.constant 0 : index
    %swap3A_2 = arith.constant 0 : index
    %swap3A_3 = vector.load %arg1[%swap3A, %swap3A_2] : memref<1000x128xf32, #tpu.memory_space<vmem>>, vector<1000x128xf32>
    tpu.vector_store %arg1[%swap3A, %swap3A_2], %concatenate3A {strides = array<i32>} : memref<1000x128xf32, #tpu.memory_space<vmem>>, vector<1000x128xf32>,
    return
  }
}

module attributes {stable_mosaic.version = 14 : i64} {
  func.func @_pack_body(%arg0: i32, %arg1: memref<64x16384xf32, #tpu.memory_space<vmem>>, %arg2: memref<64x16384xf32, #tpu.memory_space<vmem>>, %arg3: memref<8192x128xi32, #tpu.memory_space<vmem>>) attributes {dimension_semantics = [#tpu.dimension_semantics<arbitrary>], iteration_bounds = array<i64: 62>, scalar_prefetch = 0 : i64, scratch_operands = 0 : i64, tpu.core_type = #tpu.core_type<tc>, window_params = [{transform_indices = @transform_0, window_bounds = array<i64: 64, 16384>}, {transform_indices = @transform_1, window_bounds = array<i64: 64, 16384>}, {transform_indices = @transform_2, window_bounds = array<i64: 8192, 128>}]} {
    %get3A = arith.constant 0 : index
    %get3A_0 = arith.constant 0 : index
    %get3A_1 = vector.load %arg1[%get3A, %get3A_0] : memref<64x16384xf32, #tpu.memory_space<vmem>>, vector<64x16384xf32>
    %get3A_2 = arith.constant 0 : index
    %get3A_3 = arith.constant 0 : index
    %get3A_4 = vector.load %arg2[%get3A_2, %get3A_3] : memref<64x16384xf32, #tpu.memory_space<vmem>>, vector<64x16384xf32>
    %convert_element_type3A = arith.truncf %get3A_1 : vector<64x16384xf32> to vector<64x16384xbf16>
    %bitcast_convert_type3A = tpu.bitcast %convert_element_type3A : vector<64x16384xbf16> -> vector<64x16384xi16>
    %convert_element_type3A_5 = arith.extui %bitcast_convert_type3A : vector<64x16384xi16> to vector<64x16384xi32>
    %convert_element_type3A_6 = arith.truncf %get3A_4 : vector<64x16384xf32> to vector<64x16384xbf16>
    %bitcast_convert_type3A_7 = tpu.bitcast %convert_element_type3A_6 : vector<64x16384xbf16> -> vector<64x16384xi16>
    %convert_element_type3A_8 = arith.extui %bitcast_convert_type3A_7 : vector<64x16384xi16> to vector<64x16384xi32>
    %shift_left3A = arith.constant 16 : i32
    %shift_left3A_9 = vector.broadcast %shift_left3A : i32 to vector<64x16384xi32>
    %shift_left3A_10 = arith.shli %convert_element_type3A_8, %shift_left3A_9 : vector<64x16384xi32>
    %or3A = arith.ori %shift_left3A_10, %convert_element_type3A_5 : vector<64x16384xi32>
    %transpose3A = tpu.transpose %or3A, [1, 0] : vector<64x16384xi32> -> vector<16384x64xi32>
    %slice3A = vector.extract_strided_slice %transpose3A {offsets = [0, 0], sizes = [8192, 64], strides = [1, 1]} : vector<16384x64xi32> to vector<8192x64xi32>
    %slice3A_11 = vector.extract_strided_slice %transpose3A {offsets = [8192, 0], sizes = [8192, 64], strides = [1, 1]} : vector<16384x64xi32> to vector<8192x64xi32>
    %concatenate3A = tpu.concatenate %slice3A, %slice3A_11 in 1 : vector<8192x64xi32>, vector<8192x64xi32> -> vector<8192x128xi32>
    %bitcast_convert_type3A_12 = tpu.bitcast %concatenate3A : vector<8192x128xi32> -> vector<8192x128xi32>
    %swap3A = arith.constant 0 : index
    %swap3A_13 = arith.constant 0 : index
    %swap3A_14 = vector.load %arg3[%swap3A, %swap3A_13] : memref<8192x128xi32, #tpu.memory_space<vmem>>, vector<8192x128xi32>
    tpu.vector_store %arg3[%swap3A, %swap3A_13], %bitcast_convert_type3A_12 {strides = array<i32>} : memref<8192x128xi32, #tpu.memory_space<vmem>>, vector<8192x128xi32>,
    return
  }
  func.func @transform_0(%arg0: i32) -> (i32, i32) {
    %c0_i32 = arith.constant 0 : i32
    %c0_i32_0 = arith.constant 0 : i32
    return %c0_i32, %arg0 : i32, i32
  }
  func.func @transform_1(%arg0: i32) -> (i32, i32) {
    %c0_i32 = arith.constant 0 : i32
    %c0_i32_0 = arith.constant 0 : i32
    return %c0_i32, %arg0 : i32, i32
  }
  func.func @transform_2(%arg0: i32) -> (i32, i32) {
    %c0_i32 = arith.constant 0 : i32
    %c0_i32_0 = arith.constant 0 : i32
    return %arg0, %c0_i32 : i32, i32
  }
}

</mosaic_0001>

<sc_bundles>
// kernel: kernel.5.cloned.1.call-start
scs
__scs_entry_jumppad:
0x0: {  	(pc) =	sbr.rel $0x88, $3  }
0x1: {  	(tag) =	ssettag $0x0;
	lr =	simm.s32 $0x1  }
0x2: {  	[smem:$0x3F9C] =	sst lr;
	_ =	strace $0xD0000000  }
0x3: {  	_ = 	snop  }
0x4: {  	_ = 	snop  }
0x5: {  	_ = 	snop  }
0x6: {  	_ = 	snop  }
0x7: {  	_ = 	snop  }
__scs_overlays_trampoline_lowered:
0x8: {  	[smem:$0x3FAB] =	sst s0  }
0x9: {  	[smem:$0x3FAC] =	sst s1  }
0xa: {  	[smem:$0x3FAD] =	sst s2  }
0xb: {  	[smem:$0x3FAE] =	sst s3  }
0xc: {  	[smem:$0x3FAF] =	sst s4  }
0xd: {  	[smem:$0x3FB0] =	sst s5  }
0xe: {  	[smem:$0x3FB1] =	sst s6  }
0xf: {  	[smem:$0x3FB2] =	sst s7  }
0x10: {  	[smem:$0x3FB3] =	sst s8  }
0x11: {  	[smem:$0x3FB4] =	sst s9;
	s0 =	simm.s32 @!p0 $0x0  }
0x12: {  	s1 =	sld [smem:$0x3F9A];
	s0 =	simm.s32 @p0 $0x1  }
0x13: {  	[smem:$0x3FB5] =	sst s0;
	s0 =	simm.s32 @!p1 $0x0  }
0x14: {  	s2 =	sld [smem:$0x3F99];
	s0 =	simm.s32 @p1 $0x1  }
0x15: {  	[smem:$0x3FB6] =	sst s0;
	s0 =	simm.s32 @!p2 $0x0  }
0x16: {  	s3 =	sld [smem:$0x3FDB];
	s0 =	simm.s32 @p2 $0x1  }
0x17: {  	s4 =	simm.s32 $0x1BF5;
	[smem:$0x3FB8] =	sst s0  }
0x18: {  	s0 =	sld [smem:$0x3F9B];
	_ =	swait.ge [sflag:s4], $0x0  }
0x19: {  	s7 =	sld [smem:$0x3F9C]  }
0x1a: {  	s8 =	sadd.s32 $0xFFFFE003, lr  }
0x1b: {  	s9 =	sadd.s32 $0xFFFFFEF7, lr;
	s5 =	simm.s32 $0xFFFFFFFF;
	p2 =	slt.u32 s8, $0xFFFFF086  }
0x1c: {  	p1 =	slt.u32 s9, $0xF7A;
	s5 =	simm.s32 @!p2 $0x0  }
0x1d: {  	s5 =	simm.s32 @p1 $0x1;
	p0 =	seq.s32 s7, s2  }
0x1e: {  	s7 =	smul.u32 @!p0 $0xF7A, s2;
	p2 =	seq.s32 @!p0 s5, $0x0  }
0x1f: {  	s9 =	smul.u32 $0xF7A, s1;
	s8 =	simm.s32 @!p0 $0x1BF5;
	p2 =	por !p2, p0  }
0x20: {  	[sflag:s8] =	ssyncset.s32 @!p0 $0xFFFFF086;
	s6 =	sadd.s32 @!p0 s3, s7;
	s7 =	simm.s32 @!p0 $0x108  }
0x21: {  	s3 =	sadd.s32 s3, s9;
	s6 =	sadd.s32 @!p0 $0x88, s6;
	s7 =	simm.s32 @p2 $0x1082  }
0x22: {  	[simem:s7], [sflag:s8] =	dma.local @!p0 [hbm:s6], $0xF7A  }
0x23: {  	s9 =	sor.u32 $0xD0000000, s2;
	s6 =	simm.s32 $0x108;
	_ =	swait.ge @!p0 [sflag:s8], $0x0  }
0x24: {  	s3 =	sadd.s32 $0x88, s3;
	s6 =	simm.s32 @!p1 $0x1082;
	[sflag:s4] =	ssyncset.s32 $0xFFFFF086  }
0x25: {  	[simem:s6], [sflag:s4] =	dma.local [hbm:s3], $0xF7A  }
0x26: {  	[smem:$0x3F9C] =	sst s1;
	(tag) =	ssettag s2;
	_ =	strace s9  }
0x27: {  	s1 =	sld [smem:$0x3FAC]  }
0x28: {  	s2 =	sld [smem:$0x3FAD]  }
0x29: {  	s4 =	sld [smem:$0x3FAF]  }
0x2a: {  	p0 =	seq.s32 s5, $0x0;
	s5 =	sld [smem:$0x3FB0]  }
0x2b: {  	s6 =	sld [smem:$0x3FB1]  }
0x2c: {  	s7 =	sld [smem:$0x3FB2]  }
0x2d: {  	s3 =	simm.s32 $0x108;
	s8 =	sld [smem:$0x3FB3]  }
0x2e: {  	s3 =	simm.s32 @!p0 $0x1082;
	s9 =	sld [smem:$0x3FB4]  }
0x2f: {  	lr =	sadd.s32 s0, s3;
	s0 =	sld [smem:$0x3FAB]  }
0x30: {  	s3 =	sld [smem:$0x3FAE]  }
0x31: {  	[smem:$0x3FB7] =	sst s10  }
0x32: {  	s10 =	sld [smem:$0x3FB5];
	_ =	sdelay $0x3  }
0x33: {  	p0 =	seq.s32 s10, $0x1;
	s10 =	sld [smem:$0x3FB7];
	_ =	sdelay $0x3  }
0x34: {  	[smem:$0x3FB7] =	sst s10  }
0x35: {  	s10 =	sld [smem:$0x3FB6];
	_ =	sdelay $0x3  }
0x36: {  	p1 =	seq.s32 s10, $0x1;
	s10 =	sld [smem:$0x3FB7];
	_ =	sdelay $0x3  }
0x37: {  	[smem:$0x3FB7] =	sst s10  }
0x38: {  	s10 =	sld [smem:$0x3FB8]  }
0x39: {  	_ = 	snop;
	(pc) =	sbr.ind lr, $3  }
0x3a: {  	_ = 	snop  }
0x3b: {  	_ = 	snop  }
0x3c: {  	p2 =	seq.s32 s10, $0x1;
	s10 =	sld [smem:$0x3FB7]  }
0x3d: {  	_ =	shalt  }
0x3e: {  	_ =	shalt  }
0x3f: {  	_ =	shalt  }
0x40: {  	_ =	shalt  }
0x41: {  	_ =	shalt  }
0x42: {  	_ =	shalt  }
0x43: {  	_ =	shalt  }
0x44: {  	_ =	shalt  }
0x45: {  	_ =	shalt  }
0x46: {  	_ =	shalt  }
0x47: {  	_ =	shalt  }
0x48: {  	_ =	shalt  }
0x49: {  	_ =	shalt  }
0x4a: {  	_ =	shalt  }
0x4b: {  	_ =	shalt  }
0x4c: {  	_ =	shalt  }
0x4d: {  	_ =	shalt  }
0x4e: {  	_ =	shalt  }
0x4f: {  	_ =	shalt  }
0x50: {  	_ =	shalt  }
0x51: {  	_ =	shalt  }
0x52: {  	_ =	shalt  }
0x53: {  	_ =	shalt  }
0x54: {  	_ =	shalt  }
0x55: {  	_ =	shalt  }
0x56: {  	_ =	shalt  }
0x57: {  	_ =	shalt  }
0x58: {  	_ =	shalt  }
0x59: {  	_ =	shalt  }
0x5a: {  	_ =	shalt  }
0x5b: {  	_ =	shalt  }
0x5c: {  	_ =	shalt  }
0x5d: {  	_ =	shalt  }
0x5e: {  	_ =	shalt  }
0x5f: {  	_ =	shalt  }
0x60: {  	_ =	shalt  }
0x61: {  	_ =	shalt  }
0x62: {  	_ =	shalt  }
0x63: {  	_ =	shalt  }
0x64: {  	_ =	shalt  }
0x65: {  	_ =	shalt  }
0x66: {  	_ =	shalt  }
0x67: {  	_ =	shalt  }
0x68: {  	_ =	shalt  }
0x69: {  	_ =	shalt  }
0x6a: {  	_ =	shalt  }
0x6b: {  	_ =	shalt  }
0x6c: {  	_ =	shalt  }
0x6d: {  	_ =	shalt  }
0x6e: {  	_ =	shalt  }
0x6f: {  	_ =	shalt  }
0x70: {  	_ =	shalt  }
0x71: {  	_ =	shalt  }
0x72: {  	_ =	shalt  }
0x73: {  	_ =	shalt  }
0x74: {  	_ =	shalt  }
0x75: {  	_ =	shalt  }
0x76: {  	_ =	shalt  }
0x77: {  	_ =	shalt  }
0x78: {  	_ =	shalt  }
0x79: {  	_ =	shalt  }
0x7a: {  	_ =	shalt  }
0x7b: {  	_ =	shalt  }
0x7c: {  	_ =	shalt  }
0x7d: {  	_ =	shalt  }
0x7e: {  	_ =	shalt  }
0x7f: {  	_ =	shalt  }
0x80: {  	_ =	shalt  }
0x81: {  	_ =	shalt  }
0x82: {  	_ =	shalt  }
0x83: {  	_ =	shalt  }
0x84: {  	_ =	shalt  }
0x85: {  	_ =	shalt  }
0x86: {  	_ =	shalt  }
0x87: {  	_ =	shalt  }
.Lfunc_end0:
.L_simem_size_0:
called_computation_lowered:
.L_overlay_start_0:
0x88: {  	s2 =	sld [smem:$0x3FD9]  }
0x89: {  	s3 =	sld [smem:$0x3FFE];
	_ =	sdelay $0x1  }
0x8a: {  	s1 =	srdreg.scid  }
0x8b: {  	s0 =	sand.u32 $0x1, s1  }
0x8c: {  	s14 =	sshll.u32 s0, $0xA;
	s2 =	sadd.s32 s3, s2  }
0x8d: {  	s2 =	sadd.s32 s2, s14  }
0x8e: {  	[smem:$0x3FC3] =	sst s2  }
0x8f: {  	_ = 	snop  }
0x90: {  	s2 =	sld [smem:$0x3FD0];
	_ =	sdelay $0x2  }
0x91: {  	s4 =	simm.s32 $0xA;
	s5 =	simm.s32 $0x10;
	s15 =	sld [smem:$0x3FC8]  }
0x92: {  	[smem:s5], [sflag:s4] =	dma.local [hbm:s2], $0x1  }
0x93: {  	_ =	swait.eq [sflag:s4], $0x1  }
0x94: {  	[sflag:s4] =	ssyncset.done $0x0  }
0x95: {  	s16 =	sld [smem:$0x10];
	[sflag:s4] =	ssyncadd.s32 $0xFFFFFFFF  }
0x96: {  	s17 =	sld [smem:$0x11];
	(tm) =	ssettm $0x1  }
0x97: {  	s18 =	sld [smem:$0x3FFB];
	_ =	sdelay $0x3  }
0x98: {  	_ =	strace s18  }
0x99: {  	s5 =	sld [smem:$0x3FFC];
	_ =	sdelay $0x3  }
0x9a: {  	_ =	strace s5  }
0x9b: {  	s5 =	sld [smem:$0x3FFD];
	_ =	sdelay $0x3  }
0x9c: {  	_ =	strace s5  }
0x9d: {  	_ =	strace $0x8FFFFFFF  }
0x9e: {  	s19 =	sld [smem:$0x3FDB];
	_ =	sdelay $0x1  }
0x9f: {  	s6 =	simm.s32 $_scs_section_size  }
0xa0: {  	s7 =	simm.s32 $_size__tile_overlayer_lowered;
	s8 =	simm.s32 $_tile_overlayer_lowered  }
0xa1: {  	s22 =	simm.s32 $0x1BFF;
	s21 =	sshll.u32 s8, $0x1;
	s5 =	sadd.s32 s6, s19  }
0xa2: {  	s9 =	simm.s32 $0x0;
	s20 =	sshll.u32 s7, $0x1;
	s7 =	sadd.s32 s21, s5  }
0xa3: {  	[timem:s9], [sflag:s22] =	dma.local [hbm:s7], s20  }
0xa4: {  	_ =	swait.ge [sflag:s22], s20  }
0xa5: {  	s6 =	ssub.s32 $0x0, s20;
	[sflag:s22] =	ssyncset.done $0x0  }
0xa6: {  	[sflag:s22] =	ssyncadd.s32 s6;
	_ =	sdelay $0x1  }
0xa7: {  	s23 =	simm.s32 $0x1B8B  }
0xa8: {  	_ =	swait.ge [sflag:s23], $0x1  }
0xa9: {  	[sflag:s23] =	ssyncset.done $0x0  }
0xaa: {  	s25 =	simm.s32 $0x1B8E;
	s24 =	sld [smem:$0x3FFE];
	[sflag:s23] =	ssyncadd.s32 $0xFFFFFFFF  }
0xab: {  	s26 =	simm.s32 $execute0_lowered;
	[smem:$0x3FD2] =	sst s25  }
0xac: {  	s7 =	sshll.u32 s26, $0x1;
	_ =	strace $0x80000046;
	[dreg:$0x1] =	wrdreg $0xFFFFFFFF  }
0xad: {  	s28 =	simm.s32 $_size_execute0_lowered;
	s5 =	sadd.s32 s5, s7;
	[dreg:$0x0] =	wrdreg $0x0  }
0xae: {  	s7 =	sshll.u32 s28, $0x1;
	[dreg:$0x2] =	wrdreg s5  }
0xaf: {  	[dreg:$0x3] =	wrdreg s7  }
0xb0: {  	[dreg:$0x4] =	wrdreg $0xC0  }
0xb1: {  	_ =	task [dreg:s9], $0x5FFFF  }
0xb2: {  	[dreg:$0x1] =	wrdreg $0xFFFFFFFF  }
0xb3: {  	[dreg:$0x0] =	wrdreg $0x60  }
0xb4: {  	[dreg:$0x2] =	wrdreg s24  }
0xb5: {  	[dreg:$0x3] =	wrdreg s15  }
0xb6: {  	[dreg:$0x4] =	wrdreg s16  }
0xb7: {  	[dreg:$0x5] =	wrdreg s17  }
0xb8: {  	[dreg:$0x6] =	wrdreg $0x9  }
0xb9: {  	_ =	task.clear_ibuf [dreg:s9], $0x7FFFF;
	_ =	strace $0x90000046  }
0xba: {  	s29 =	simm.s32 $0x9;
	_ =	strace $0x80000048  }
0xbb: {  	_ =	swait.ge [sflag:s29], $0x1  }
0xbc: {  	[sflag:s29] =	ssyncadd.s32 $0xFFFFFFFF  }
0xbd: {  	_ =	strace $0x90000048  }
0xbe: {  	_ =	sfence  }
0xbf: {  	s30 =	sld [smem:$0x0];
	_ =	sdelay $0x2  }
0xc0: {  	s31 =	sshll.u32 s1, $0xD;
	s1 =	sshrl.u32 s1, $0x2  }
0xc1: {  	s3 =	sand.u32 $0x4000, s31;
	s1 =	sadd.s32 s1, s30  }
0xc2: {  	s0 =	sor.u32 s3, s0;
	s1 =	sshll.u32 s1, $0x11  }
0xc3: {  	s0 =	sor.u32 s1, s0  }
0xc4: {  	s0 =	sadd.s32 $0x8F2B, s0  }
0xc5: {  	[sflag:s0] =	ssyncadd.remote.s32 $0x1  }
0xc6: {  	_ =	sfence.sel $0xFFFF  }
0xc7: {  	[dreg:$0x0] =	wrdreg $0xFFFFFFFF;
	(pc) =	sbr.abs _section_cstart, $3  }
0xc8: {  	[dreg:$0x1] =	wrdreg $0xFFFFFFFF  }
0xc9: {  	_ =	task.clear_ibuf [dreg:s9], $0x2FFFF;
	_ =	strace $0x9FFFFFFF  }
0xca: {  	(tm) =	ssettm $0x7FFFFFFF  }
0xcb: {  	_ =	shalt  }
tec
execute0_lowered:
.L_overlay_start_1:
0x0: {  	(tag) =	ssettag $0x1  }
0x1: {  	s0 =	rddreg [dreg:$0x0]  }
0x2: {  	s6 =	rddreg [dreg:$0x1]  }
0x3: {  	s8 =	rddreg [dreg:$0x2]  }
0x4: {  	s2 =	rddreg [dreg:$0x3]  }
0x5: {  	s4 =	srdreg.scid;
	s3 =	simm.s32 $0x0;
	s1 =	stileid.u32  }
0x6: {  	s13 =	simm.s32 $0x2;
	s14 =	simm.s32 $0x200;
	s15 =	simm.s32 $0x400  }
0x7: {  	s16 =	simm.s32 $0x80;
	s17 =	simm.s32 $0x600;
	s18 =	simm.s32 $0x4600  }
0x8: {  	s19 =	simm.s32 $0x1;
	s20 =	simm.s32 $0x280;
	s21 =	simm.s32 $0x100  }
0x9: {  	s22 =	simm.s32 $0x300;
	s23 =	simm.s32 $0x180;
	s24 =	simm.s32 $0x380  }
0xa: {  	s25 =	simm.s32 $0x0;
	s4 =	sand.u32 $0x1, s4;
	[smem:$0x7FF] =	sst s3  }
0xb: {  	s5 =	sshll.u32 s1, $0x7;
	s29 =	sshll.u32 s1, $0xE;
	s7 =	sshll.u32 s4, $0x6  }
0xc: {  	_ =	strace $0x80000047;
	s30 =	sshll.u32 s4, $0xD;
	s10 =	ssub.s32 $0x2, s4  }
0xd: {  	s4 =	sadd.s32 $0x1200, s0;
	s9 =	sor.u32 s7, s5;
	s5 =	sor.u32 s30, s29  }
0xe: {  	s31 =	sshrl.u32 s10, $0x1;
	s11 =	sadd.s32 s9, s0;
	s0 =	sadd.s32 s5, s0  }
0xf: {  	s12 =	ssub.s32 s10, s31;
	s6 =	sadd.s32 s6, s9;
	s5 =	sadd.s32 $0xA00, s11  }
0x10: {  	s8 =	sadd.s32 s8, s9;
	s7 =	sadd.s32 $0x7C1200, s0;
	s9 =	sadd.s32 $0x7C1A00, s0  }
0x11: {  	s10 =	sadd.s32 $0x7C2200, s0;
	s11 =	sadd.s32 $0x7C2A00, s0;
	s12 =	smax.u32 s12, $0x1  }
.LBB2_1:
0x12: {  	[tilespmem:s3], [sflag:$0x2] =	stream.linear.gather [hbm4b:s5+s3], $0x200, $0x38;
	[tilespmem:$0x8600] =	vst v63  }
0x13: {  	_ =	swait.ge [sflag:s13], $0x200  }
0x14: {  	[sflag:s13] =	ssyncset.done $0x0  }
0x15: {  	[sflag:s13] =	ssyncadd.s32 $0xFFFFFE00  }
0x16: {  	[tilespmem:s14], [sflag:$0x2] =	stream.linear.gather [hbm4b:s6+s3], $0x200, $0x38;
	[tilespmem:$0x8600] =	vst v63  }
0x17: {  	_ =	swait.ge [sflag:s13], $0x200  }
0x18: {  	[sflag:s13] =	ssyncset.done $0x0  }
0x19: {  	[sflag:s13] =	ssyncadd.s32 $0xFFFFFE00  }
0x1a: {  	[tilespmem:s15], [sflag:$0x2] =	stream.linear.gather [hbm4b:s8+s3], $0x200, $0x38;
	[tilespmem:$0x8600] =	vst v63  }
0x1b: {  	_ =	swait.ge [sflag:s13], $0x200  }
0x1c: {  	[sflag:s13] =	ssyncset.done $0x0  }
0x1d: {  	[sflag:s13] =	ssyncadd.s32 $0xFFFFFE00  }
0x1e: {  	[tilespmem:s17], [sflag:$0x1] =	stream.indirect.gather [hbm4b:s4+s16], $0x80, s3, s16, $0xb8;
	[tilespmem:$0x8600] =	vst v63  }
0x1f: {  	_ = 	snop  }
0x20: {  	[tilespmem:s18], [sflag:$0x1] =	stream.indirect.gather [hbm4b:s2+s16], $0x80, s14, s16, $0xb8;
	[tilespmem:$0x8600] =	vst v63  }
0x21: {  	_ =	swait.ge [sflag:s19], $0x4000  }
0x22: {  	v0 =	vmov s3;
	[sflag:s19] =	ssyncset.done $0x0  }
0x23: {  	[sflag:s19] =	ssyncadd.s32 $0xFFFFC000  }
0x24: {  	_ =	swait.ge [sflag:s19], $0x4000  }
0x25: {  	[sflag:s19] =	ssyncset.done $0x0  }
0x26: {  	[sflag:s19] =	ssyncadd.s32 $0xFFFFC000  }
0x27: {  	s26 =	simm.s32 $0x640;
	v0 =	vld.idx.msk [tilespmem:v0+s15+$0x0], $0xffff  }
0x28: {  	v1 =	vld [tilespmem:s26+$0x0]  }
0x29: {  	s28 =	simm.s32 $0x4640;
	v2 =	vld [tilespmem:s26+$0xFFFFFFC0]  }
0x2a: {  	v3 =	vld [tilespmem:s28+$0x0]  }
0x2b: {  	v4 =	vld [tilespmem:s28+$0xFFFFFFC0];
	_ =	sdelay $0x1  }
0x2c: {  	vm0 =	vgt.s32 v0, $0x0  }
0x2d: {  	v0 =	vsel vm0, v1, v2  }
0x2e: {  	v1 =	vshll.u32 v0, $0x10;
	v0 =	vand.u32 $0xFFFF0000, v0  }
0x2f: {  	v2 =	vmul.f32 v1, v4;
	v5 =	vmul.f32 v0, v3  }
0x30: {  	v1 =	vmul.f32 v1, v3;
	v0 =	vmul.f32 v0, v4  }
0x31: {  	v2 =	vsub.f32 v2, v5  }
0x32: {  	v0 =	vadd.f32 v0, v1  }
0x33: {  	[tilespmem:s28+$0xFFFFFFC0] =	vst v2  }
0x34: {  	[tilespmem:s28+$0x0] =	vst v0  }
0x35: {  	v0 =	vld [tilespmem:s26+$0x10]  }
0x36: {  	v1 =	vld [tilespmem:s26+$0xFFFFFFD0]  }
0x37: {  	v3 =	vld [tilespmem:s28+$0xFFFFFFD0]  }
0x38: {  	v2 =	vld [tilespmem:s28+$0x10];
	_ =	sdelay $0x2  }
0x39: {  	v0 =	vsel vm0, v0, v1  }
0x3a: {  	v1 =	vshll.u32 v0, $0x10;
	v0 =	vand.u32 $0xFFFF0000, v0  }
0x3b: {  	v4 =	vmul.f32 v1, v3;
	v5 =	vmul.f32 v0, v2  }
0x3c: {  	v1 =	vmul.f32 v1, v2;
	v0 =	vmul.f32 v0, v3  }
0x3d: {  	v2 =	vsub.f32 v4, v5  }
0x3e: {  	v0 =	vadd.f32 v0, v1  }
0x3f: {  	[tilespmem:s28+$0xFFFFFFD0] =	vst v2  }
0x40: {  	[tilespmem:s28+$0x10] =	vst v0  }
0x41: {  	v0 =	vld [tilespmem:s26+$0x20]  }
0x42: {  	v1 =	vld [tilespmem:s26+$0xFFFFFFE0]  }
0x43: {  	v3 =	vld [tilespmem:s28+$0xFFFFFFE0]  }
0x44: {  	v2 =	vld [tilespmem:s28+$0x20];
	_ =	sdelay $0x2  }
0x45: {  	v0 =	vsel vm0, v0, v1  }
0x46: {  	v1 =	vshll.u32 v0, $0x10;
	v0 =	vand.u32 $0xFFFF0000, v0  }
0x47: {  	v4 =	vmul.f32 v1, v3;
	v5 =	vmul.f32 v0, v2  }
0x48: {  	v1 =	vmul.f32 v1, v2;
	v0 =	vmul.f32 v0, v3  }
0x49: {  	v2 =	vsub.f32 v4, v5  }
0x4a: {  	v0 =	vadd.f32 v0, v1  }
0x4b: {  	[tilespmem:s28+$0xFFFFFFE0] =	vst v2  }
0x4c: {  	[tilespmem:s28+$0x20] =	vst v0  }
0x4d: {  	v2 =	vld [tilespmem:s26+$0x30]  }
0x4e: {  	v3 =	vld [tilespmem:s26+$0xFFFFFFF0]  }
0x4f: {  	v1 =	vld [tilespmem:s28+$0x30]  }
0x50: {  	s30 =	simm.s32 $0x1;
	s29 =	simm.s32 $0x4640;
	v0 =	vld [tilespmem:s28+$0xFFFFFFF0]  }
.LBB2_2:
0x51: {  	p0 =	sne.s32 s30, $0x7F;
	s28 =	sadd.s32 $0x80, s28;
	s26 =	sadd.s32 $0x80, s26  }
0x52: {  	s0 =	smov.u32 s30;
	s30 =	sadd.s32 $0x1, s30  }
0x53: {  	v2 =	vsel vm0, v2, v3  }
0x54: {  	v3 =	vmov s0;
	v4 =	vshll.u32 v2, $0x10;
	v2 =	vand.u32 $0xFFFF0000, v2  }
0x55: {  	v5 =	vmul.f32 v4, v0;
	v6 =	vmul.f32 v2, v1  }
0x56: {  	v1 =	vmul.f32 v4, v1;
	v0 =	vmul.f32 v2, v0  }
0x57: {  	v2 =	vsub.f32 v5, v6  }
0x58: {  	v0 =	vadd.f32 v0, v1  }
0x59: {  	[tilespmem:s29+$0xFFFFFFF0] =	vst v2  }
0x5a: {  	[tilespmem:s29+$0x30] =	vst v0;
	s29 =	smov.u32 s28  }
0x5b: {  	v0 =	vld.idx.msk [tilespmem:v3+s15+$0x0], $0xffff  }
0x5c: {  	v1 =	vld [tilespmem:s26+$0x0]  }
0x5d: {  	v2 =	vld [tilespmem:s26+$0xFFFFFFC0]  }
0x5e: {  	v3 =	vld [tilespmem:s28+$0x0]  }
0x5f: {  	v4 =	vld [tilespmem:s28+$0xFFFFFFC0];
	_ =	sdelay $0x1  }
0x60: {  	vm0 =	vgt.s32 v0, $0x0  }
0x61: {  	v0 =	vsel vm0, v1, v2  }
0x62: {  	v1 =	vshll.u32 v0, $0x10;
	v0 =	vand.u32 $0xFFFF0000, v0  }
0x63: {  	v2 =	vmul.f32 v1, v4;
	v5 =	vmul.f32 v0, v3  }
0x64: {  	v1 =	vmul.f32 v1, v3;
	v0 =	vmul.f32 v0, v4  }
0x65: {  	v2 =	vsub.f32 v2, v5  }
0x66: {  	v0 =	vadd.f32 v0, v1  }
0x67: {  	[tilespmem:s28+$0xFFFFFFC0] =	vst v2  }
0x68: {  	[tilespmem:s28+$0x0] =	vst v0  }
0x69: {  	v0 =	vld [tilespmem:s26+$0x10]  }
0x6a: {  	v1 =	vld [tilespmem:s26+$0xFFFFFFD0]  }
0x6b: {  	v2 =	vld [tilespmem:s28+$0x10]  }
0x6c: {  	v3 =	vld [tilespmem:s28+$0xFFFFFFD0];
	_ =	sdelay $0x2  }
0x6d: {  	v0 =	vsel vm0, v0, v1  }
0x6e: {  	v1 =	vshll.u32 v0, $0x10;
	v0 =	vand.u32 $0xFFFF0000, v0  }
0x6f: {  	v4 =	vmul.f32 v1, v3;
	v5 =	vmul.f32 v0, v2  }
0x70: {  	v1 =	vmul.f32 v1, v2;
	v0 =	vmul.f32 v0, v3  }
0x71: {  	v2 =	vsub.f32 v4, v5  }
0x72: {  	v0 =	vadd.f32 v0, v1  }
0x73: {  	[tilespmem:s28+$0xFFFFFFD0] =	vst v2  }
0x74: {  	[tilespmem:s28+$0x10] =	vst v0  }
0x75: {  	v0 =	vld [tilespmem:s26+$0x20]  }
0x76: {  	v1 =	vld [tilespmem:s26+$0xFFFFFFE0]  }
0x77: {  	v2 =	vld [tilespmem:s28+$0x20]  }
0x78: {  	v3 =	vld [tilespmem:s28+$0xFFFFFFE0];
	_ =	sdelay $0x2  }
0x79: {  	v0 =	vsel vm0, v0, v1  }
0x7a: {  	v1 =	vshll.u32 v0, $0x10;
	v0 =	vand.u32 $0xFFFF0000, v0  }
0x7b: {  	v4 =	vmul.f32 v1, v3;
	v5 =	vmul.f32 v0, v2  }
0x7c: {  	v1 =	vmul.f32 v1, v2;
	v0 =	vmul.f32 v0, v3  }
0x7d: {  	v2 =	vsub.f32 v4, v5  }
0x7e: {  	v0 =	vadd.f32 v0, v1  }
0x7f: {  	[tilespmem:s28+$0xFFFFFFE0] =	vst v2  }
.Ltmp0:
0x80: {  	[tilespmem:s28+$0x20] =	vst v0;
	(pc) =	sbr.rel @p0 .LBB2_2-.Ltmp0, $4  }
0x81: {  	v2 =	vld [tilespmem:s26+$0x30]  }
0x82: {  	v3 =	vld [tilespmem:s26+$0xFFFFFFF0]  }
0x83: {  	v0 =	vld [tilespmem:s28+$0xFFFFFFF0]  }
0x84: {  	v1 =	vld [tilespmem:s28+$0x30]  }
0x85: {  	_ =	sdelay $0x1  }
0x86: {  	v2 =	vsel vm0, v2, v3  }
0x87: {  	v3 =	vshll.u32 v2, $0x10;
	v2 =	vand.u32 $0xFFFF0000, v2  }
0x88: {  	v4 =	vmul.f32 v3, v0;
	v5 =	vmul.f32 v2, v1  }
0x89: {  	v1 =	vmul.f32 v3, v1;
	v0 =	vmul.f32 v2, v0  }
0x8a: {  	v2 =	vsub.f32 v4, v5  }
0x8b: {  	v0 =	vadd.f32 v0, v1  }
0x8c: {  	[tilespmem:s29+$0xFFFFFFF0] =	vst v2  }
0x8d: {  	s0 =	simm.s32 $0x0;
	[tilespmem:s29+$0x30] =	vst v0  }
0x8e: {  	[hbm4b:s7+s0] =	stream.linear.scatter [tilespmem:s18], [sflag:$0x2], $0x4000, $0x38;
	[tilespmem:$0x8600] =	vst v63  }
0x8f: {  	_ =	swait.ge [sflag:s13], $0x4000  }
0x90: {  	[sflag:s13] =	ssyncset.done $0x0  }
0x91: {  	[sflag:s13] =	ssyncadd.s32 $0xFFFFC000  }
0x92: {  	v0 =	vmov s0;
	[tilespmem:s17], [sflag:$0x1] =	stream.indirect.gather [hbm4b:s4+s16], $0x80, s16, s16, $0xb8;
	[tilespmem:$0x8600] =	vst v63  }
0x93: {  	v0 =	vand.u32 $0x7F, v0  }
0x94: {  	v0 =	vor.u32 $0x80, v0;
	[tilespmem:s18], [sflag:$0x1] =	stream.indirect.gather [hbm4b:s2+s16], $0x80, s20, s16, $0xb8;
	[tilespmem:$0x8600] =	vst v63  }
0x95: {  	v0 =	vbroadcast v0, $0x0;
	_ =	swait.ge [sflag:s19], $0x4000  }
0x96: {  	[sflag:s19] =	ssyncset.done $0x0  }
0x97: {  	[sflag:s19] =	ssyncadd.s32 $0xFFFFC000  }
0x98: {  	_ =	swait.ge [sflag:s19], $0x4000  }
0x99: {  	[sflag:s19] =	ssyncset.done $0x0  }
0x9a: {  	[sflag:s19] =	ssyncadd.s32 $0xFFFFC000  }
0x9b: {  	s28 =	simm.s32 $0x640;
	v0 =	vld.idx.msk [tilespmem:v0+s15+$0x0], $0xffff  }
0x9c: {  	v1 =	vld [tilespmem:s28+$0x0]  }
0x9d: {  	s26 =	simm.s32 $0x4640;
	v2 =	vld [tilespmem:s28+$0xFFFFFFC0]  }
0x9e: {  	v3 =	vld [tilespmem:s26+$0xFFFFFFC0]  }
0x9f: {  	v4 =	vld [tilespmem:s26+$0x0];
	_ =	sdelay $0x1  }
0xa0: {  	vm0 =	vgt.s32 v0, $0x0  }
0xa1: {  	v0 =	vsel vm0, v1, v2  }
0xa2: {  	v1 =	vshll.u32 v0, $0x10;
	v0 =	vand.u32 $0xFFFF0000, v0  }
0xa3: {  	v2 =	vmul.f32 v1, v3;
	v5 =	vmul.f32 v0, v4  }
0xa4: {  	v1 =	vmul.f32 v1, v4;
	v0 =	vmul.f32 v0, v3  }
0xa5: {  	v2 =	vsub.f32 v2, v5  }
0xa6: {  	v0 =	vadd.f32 v0, v1  }
0xa7: {  	[tilespmem:s26+$0xFFFFFFC0] =	vst v2  }
0xa8: {  	[tilespmem:s26+$0x0] =	vst v0  }
0xa9: {  	v0 =	vld [tilespmem:s28+$0x10]  }
0xaa: {  	v1 =	vld [tilespmem:s28+$0xFFFFFFD0]  }
0xab: {  	v3 =	vld [tilespmem:s26+$0xFFFFFFD0]  }
0xac: {  	v2 =	vld [tilespmem:s26+$0x10];
	_ =	sdelay $0x2  }
0xad: {  	v0 =	vsel vm0, v0, v1  }
0xae: {  	v1 =	vshll.u32 v0, $0x10;
	v0 =	vand.u32 $0xFFFF0000, v0  }
0xaf: {  	v4 =	vmul.f32 v1, v3;
	v5 =	vmul.f32 v0, v2  }
0xb0: {  	v1 =	vmul.f32 v1, v2;
	v0 =	vmul.f32 v0, v3  }
0xb1: {  	v2 =	vsub.f32 v4, v5  }
0xb2: {  	v0 =	vadd.f32 v0, v1  }
0xb3: {  	[tilespmem:s26+$0xFFFFFFD0] =	vst v2  }
0xb4: {  	[tilespmem:s26+$0x10] =	vst v0  }
0xb5: {  	v0 =	vld [tilespmem:s28+$0x20]  }
0xb6: {  	v1 =	vld [tilespmem:s28+$0xFFFFFFE0]  }
0xb7: {  	v3 =	vld [tilespmem:s26+$0xFFFFFFE0]  }
0xb8: {  	v2 =	vld [tilespmem:s26+$0x20];
	_ =	sdelay $0x2  }
0xb9: {  	v0 =	vsel vm0, v0, v1  }
0xba: {  	v1 =	vshll.u32 v0, $0x10;
	v0 =	vand.u32 $0xFFFF0000, v0  }
0xbb: {  	v4 =	vmul.f32 v1, v3;
	v5 =	vmul.f32 v0, v2  }
0xbc: {  	v1 =	vmul.f32 v1, v2;
	v0 =	vmul.f32 v0, v3  }
0xbd: {  	v2 =	vsub.f32 v4, v5  }
0xbe: {  	v0 =	vadd.f32 v0, v1  }
0xbf: {  	[tilespmem:s26+$0xFFFFFFE0] =	vst v2  }
0xc0: {  	v1 =	vld [tilespmem:s26+$0x30];
	[tilespmem:s26+$0x20] =	vst v0  }
0xc1: {  	v2 =	vld [tilespmem:s28+$0x30]  }
0xc2: {  	s31 =	simm.s32 $0x1;
	v3 =	vld [tilespmem:s28+$0xFFFFFFF0]  }
0xc3: {  	s30 =	simm.s32 $0x2;
	s29 =	simm.s32 $0x4640;
	v4 =	vmov s31;
	v0 =	vld [tilespmem:s26+$0xFFFFFFF0]  }
.LBB2_4:
0xc4: {  	s26 =	sadd.s32 $0x80, s26  }
0xc5: {  	v4 =	vand.u32 $0x7F, v4;
	s28 =	sadd.s32 $0x80, s28;
	s31 =	smov.u32 s30;
	s0 =	sadd.s32 $0x1, s30  }
0xc6: {  	p0 =	sne.s32 s30, $0x7F;
	v4 =	vor.u32 $0x80, v4  }
0xc7: {  	v4 =	vbroadcast v4, $0x0;
	v2 =	vsel vm0, v2, v3  }
0xc8: {  	v3 =	vshll.u32 v2, $0x10;
	v2 =	vand.u32 $0xFFFF0000, v2  }
0xc9: {  	v5 =	vmul.f32 v3, v0;
	v6 =	vmul.f32 v2, v1  }
0xca: {  	v1 =	vmul.f32 v3, v1;
	v0 =	vmul.f32 v2, v0  }
0xcb: {  	v2 =	vsub.f32 v5, v6  }
0xcc: {  	v0 =	vadd.f32 v0, v1  }
0xcd: {  	[tilespmem:s29+$0xFFFFFFF0] =	vst v2  }
0xce: {  	[tilespmem:s29+$0x30] =	vst v0;
	s29 =	smov.u32 s26  }
0xcf: {  	v0 =	vld.idx.msk [tilespmem:v4+s15+$0x0], $0xffff  }
0xd0: {  	v1 =	vld [tilespmem:s28+$0x0]  }
0xd1: {  	v2 =	vld [tilespmem:s28+$0xFFFFFFC0]  }
0xd2: {  	v3 =	vld [tilespmem:s26+$0xFFFFFFC0]  }
0xd3: {  	v4 =	vld [tilespmem:s26+$0x0];
	_ =	sdelay $0x1  }
0xd4: {  	vm0 =	vgt.s32 v0, $0x0  }
0xd5: {  	v0 =	vsel vm0, v1, v2  }
0xd6: {  	v1 =	vshll.u32 v0, $0x10;
	v0 =	vand.u32 $0xFFFF0000, v0  }
0xd7: {  	v2 =	vmul.f32 v1, v3;
	v5 =	vmul.f32 v0, v4  }
0xd8: {  	v1 =	vmul.f32 v1, v4;
	v0 =	vmul.f32 v0, v3  }
0xd9: {  	v2 =	vsub.f32 v2, v5  }
0xda: {  	v0 =	vadd.f32 v0, v1  }
0xdb: {  	[tilespmem:s26+$0xFFFFFFC0] =	vst v2  }
0xdc: {  	[tilespmem:s26+$0x0] =	vst v0  }
0xdd: {  	v0 =	vld [tilespmem:s28+$0x10]  }
0xde: {  	v1 =	vld [tilespmem:s28+$0xFFFFFFD0]  }
0xdf: {  	v2 =	vld [tilespmem:s26+$0x10]  }
0xe0: {  	v3 =	vld [tilespmem:s26+$0xFFFFFFD0];
	_ =	sdelay $0x2  }
0xe1: {  	v0 =	vsel vm0, v0, v1  }
0xe2: {  	v1 =	vshll.u32 v0, $0x10;
	v0 =	vand.u32 $0xFFFF0000, v0  }
0xe3: {  	v4 =	vmul.f32 v1, v3;
	v5 =	vmul.f32 v0, v2  }
0xe4: {  	v1 =	vmul.f32 v1, v2;
	v0 =	vmul.f32 v0, v3  }
0xe5: {  	v2 =	vsub.f32 v4, v5  }
0xe6: {  	v0 =	vadd.f32 v0, v1  }
0xe7: {  	[tilespmem:s26+$0xFFFFFFD0] =	vst v2  }
0xe8: {  	[tilespmem:s26+$0x10] =	vst v0  }
0xe9: {  	v0 =	vld [tilespmem:s28+$0x20]  }
0xea: {  	v1 =	vld [tilespmem:s28+$0xFFFFFFE0]  }
0xeb: {  	v2 =	vld [tilespmem:s26+$0x20]  }
0xec: {  	v3 =	vld [tilespmem:s26+$0xFFFFFFE0];
	_ =	sdelay $0x2  }
0xed: {  	v0 =	vsel vm0, v0, v1  }
0xee: {  	v1 =	vshll.u32 v0, $0x10;
	v0 =	vand.u32 $0xFFFF0000, v0  }
0xef: {  	v4 =	vmul.f32 v1, v3;
	v5 =	vmul.f32 v0, v2  }
0xf0: {  	v1 =	vmul.f32 v1, v2;
	v0 =	vmul.f32 v0, v3  }
0xf1: {  	v2 =	vsub.f32 v4, v5  }
0xf2: {  	v0 =	vadd.f32 v0, v1  }
0xf3: {  	[tilespmem:s26+$0xFFFFFFE0] =	vst v2  }
.Ltmp1:
0xf4: {  	[tilespmem:s26+$0x20] =	vst v0;
	(pc) =	sbr.rel @p0 .LBB2_4-.Ltmp1, $4  }
0xf5: {  	v2 =	vld [tilespmem:s28+$0x30]  }
0xf6: {  	v3 =	vld [tilespmem:s28+$0xFFFFFFF0]  }
0xf7: {  	v0 =	vld [tilespmem:s26+$0xFFFFFFF0]  }
0xf8: {  	s30 =	smov.u32 s0;
	v4 =	vmov s31;
	v1 =	vld [tilespmem:s26+$0x30]  }
0xf9: {  	_ = 	snop  }
0xfa: {  	v4 =	vand.u32 $0x7F, v4  }
0xfb: {  	v4 =	vor.u32 $0x80, v4;
	v2 =	vsel vm0, v2, v3  }
0xfc: {  	v3 =	vbroadcast v4, $0x0;
	v4 =	vshll.u32 v2, $0x10;
	v2 =	vand.u32 $0xFFFF0000, v2  }
0xfd: {  	v5 =	vmul.f32 v4, v0;
	v6 =	vmul.f32 v2, v1  }
0xfe: {  	v1 =	vmul.f32 v4, v1;
	v0 =	vmul.f32 v2, v0  }
0xff: {  	v2 =	vsub.f32 v5, v6  }
0x100: {  	v0 =	vadd.f32 v0, v1  }
0x101: {  	[tilespmem:s29+$0xFFFFFFF0] =	vst v2  }
0x102: {  	[tilespmem:s29+$0x30] =	vst v0  }
0x103: {  	s0 =	sadd.s32 $0x80, s28;
	v0 =	vld.idx.msk [tilespmem:v3+s15+$0x0], $0xffff  }
0x104: {  	v1 =	vld [tilespmem:s0+$0x0]  }
0x105: {  	s26 =	sadd.s32 $0x80, s26;
	v2 =	vld [tilespmem:s0+$0xFFFFFFC0]  }
0x106: {  	v3 =	vld [tilespmem:s26+$0xFFFFFFC0]  }
0x107: {  	v4 =	vld [tilespmem:s26+$0x0];
	_ =	sdelay $0x1  }
0x108: {  	vm0 =	vgt.s32 v0, $0x0  }
0x109: {  	v0 =	vsel vm0, v1, v2  }
0x10a: {  	v1 =	vshll.u32 v0, $0x10;
	v0 =	vand.u32 $0xFFFF0000, v0  }
0x10b: {  	v2 =	vmul.f32 v1, v3;
	v5 =	vmul.f32 v0, v4  }
0x10c: {  	v1 =	vmul.f32 v1, v4;
	v0 =	vmul.f32 v0, v3  }
0x10d: {  	v2 =	vsub.f32 v2, v5  }
0x10e: {  	v0 =	vadd.f32 v0, v1  }
0x10f: {  	[tilespmem:s26+$0xFFFFFFC0] =	vst v2  }
0x110: {  	[tilespmem:s26+$0x0] =	vst v0  }
0x111: {  	v0 =	vld [tilespmem:s0+$0x10]  }
0x112: {  	v1 =	vld [tilespmem:s0+$0xFFFFFFD0]  }
0x113: {  	v3 =	vld [tilespmem:s26+$0xFFFFFFD0]  }
0x114: {  	v2 =	vld [tilespmem:s26+$0x10];
	_ =	sdelay $0x2  }
0x115: {  	v0 =	vsel vm0, v0, v1  }
0x116: {  	v1 =	vshll.u32 v0, $0x10;
	v0 =	vand.u32 $0xFFFF0000, v0  }
0x117: {  	v4 =	vmul.f32 v1, v3;
	v5 =	vmul.f32 v0, v2  }
0x118: {  	v1 =	vmul.f32 v1, v2;
	v0 =	vmul.f32 v0, v3  }
0x119: {  	v2 =	vsub.f32 v4, v5  }
0x11a: {  	v0 =	vadd.f32 v0, v1  }
0x11b: {  	[tilespmem:s26+$0xFFFFFFD0] =	vst v2  }
0x11c: {  	[tilespmem:s26+$0x10] =	vst v0  }
0x11d: {  	v0 =	vld [tilespmem:s0+$0x20]  }
0x11e: {  	v1 =	vld [tilespmem:s0+$0xFFFFFFE0]  }
0x11f: {  	v3 =	vld [tilespmem:s26+$0xFFFFFFE0]  }
0x120: {  	v2 =	vld [tilespmem:s26+$0x20];
	_ =	sdelay $0x2  }
0x121: {  	v0 =	vsel vm0, v0, v1  }
0x122: {  	v1 =	vshll.u32 v0, $0x10;
	v0 =	vand.u32 $0xFFFF0000, v0  }
0x123: {  	v4 =	vmul.f32 v1, v3;
	v5 =	vmul.f32 v0, v2  }
0x124: {  	v1 =	vmul.f32 v1, v2;
	v0 =	vmul.f32 v0, v3  }
0x125: {  	v2 =	vsub.f32 v4, v5  }
0x126: {  	v0 =	vadd.f32 v0, v1  }
0x127: {  	[tilespmem:s26+$0xFFFFFFE0] =	vst v2  }
0x128: {  	[tilespmem:s26+$0x20] =	vst v0  }
0x129: {  	v0 =	vld [tilespmem:s0+$0x30]  }
0x12a: {  	v1 =	vld [tilespmem:s0+$0xFFFFFFF0]  }
0x12b: {  	v3 =	vld [tilespmem:s26+$0x30]  }
0x12c: {  	v2 =	vld [tilespmem:s26+$0xFFFFFFF0];
	_ =	sdelay $0x2  }
0x12d: {  	v0 =	vsel vm0, v0, v1  }
0x12e: {  	v1 =	vshll.u32 v0, $0x10;
	v0 =	vand.u32 $0xFFFF0000, v0  }
0x12f: {  	v4 =	vmul.f32 v1, v2;
	v5 =	vmul.f32 v0, v3  }
0x130: {  	v1 =	vmul.f32 v1, v3;
	v0 =	vmul.f32 v0, v2  }
0x131: {  	v2 =	vsub.f32 v4, v5  }
0x132: {  	v0 =	vadd.f32 v0, v1  }
0x133: {  	[tilespmem:s26+$0xFFFFFFF0] =	vst v2  }
0x134: {  	s31 =	simm.s32 $0x0;
	[tilespmem:s26+$0x30] =	vst v0  }
0x135: {  	[hbm4b:s9+s31] =	stream.linear.scatter [tilespmem:s18], [sflag:$0x2], $0x4000, $0x38;
	[tilespmem:$0x8600] =	vst v63  }
0x136: {  	_ =	swait.ge [sflag:s13], $0x4000  }
0x137: {  	[sflag:s13] =	ssyncset.done $0x0  }
0x138: {  	[sflag:s13] =	ssyncadd.s32 $0xFFFFC000  }
0x139: {  	v0 =	vmov s31;
	[tilespmem:s17], [sflag:$0x1] =	stream.indirect.gather [hbm4b:s4+s16], $0x80, s21, s16, $0xb8;
	[tilespmem:$0x8600] =	vst v63  }
0x13a: {  	v0 =	vand.u32 $0x7F, v0  }
0x13b: {  	v0 =	vor.u32 $0x100, v0;
	[tilespmem:s18], [sflag:$0x1] =	stream.indirect.gather [hbm4b:s2+s16], $0x80, s22, s16, $0xb8;
	[tilespmem:$0x8600] =	vst v63  }
0x13c: {  	v0 =	vbroadcast v0, $0x0;
	_ =	swait.ge [sflag:s19], $0x4000  }
0x13d: {  	[sflag:s19] =	ssyncset.done $0x0  }
0x13e: {  	[sflag:s19] =	ssyncadd.s32 $0xFFFFC000  }
0x13f: {  	_ =	swait.ge [sflag:s19], $0x4000  }
0x140: {  	[sflag:s19] =	ssyncset.done $0x0  }
0x141: {  	[sflag:s19] =	ssyncadd.s32 $0xFFFFC000  }
0x142: {  	s28 =	simm.s32 $0x640;
	v0 =	vld.idx.msk [tilespmem:v0+s15+$0x0], $0xffff  }
0x143: {  	v1 =	vld [tilespmem:s28+$0x0]  }
0x144: {  	s26 =	simm.s32 $0x4640;
	v2 =	vld [tilespmem:s28+$0xFFFFFFC0]  }
0x145: {  	v3 =	vld [tilespmem:s26+$0xFFFFFFC0]  }
0x146: {  	v4 =	vld [tilespmem:s26+$0x0];
	_ =	sdelay $0x1  }
0x147: {  	vm0 =	vgt.s32 v0, $0x0  }
0x148: {  	v0 =	vsel vm0, v1, v2  }
0x149: {  	v1 =	vshll.u32 v0, $0x10;
	v0 =	vand.u32 $0xFFFF0000, v0  }
0x14a: {  	v2 =	vmul.f32 v1, v3;
	v5 =	vmul.f32 v0, v4  }
0x14b: {  	v1 =	vmul.f32 v1, v4;
	v0 =	vmul.f32 v0, v3  }
0x14c: {  	v2 =	vsub.f32 v2, v5  }
0x14d: {  	v0 =	vadd.f32 v0, v1  }
0x14e: {  	[tilespmem:s26+$0xFFFFFFC0] =	vst v2  }
0x14f: {  	[tilespmem:s26+$0x0] =	vst v0  }
0x150: {  	v0 =	vld [tilespmem:s28+$0x10]  }
0x151: {  	v1 =	vld [tilespmem:s28+$0xFFFFFFD0]  }
0x152: {  	v3 =	vld [tilespmem:s26+$0xFFFFFFD0]  }
0x153: {  	v2 =	vld [tilespmem:s26+$0x10];
	_ =	sdelay $0x2  }
0x154: {  	v0 =	vsel vm0, v0, v1  }
0x155: {  	v1 =	vshll.u32 v0, $0x10;
	v0 =	vand.u32 $0xFFFF0000, v0  }
0x156: {  	v4 =	vmul.f32 v1, v3;
	v5 =	vmul.f32 v0, v2  }
0x157: {  	v1 =	vmul.f32 v1, v2;
	v0 =	vmul.f32 v0, v3  }
0x158: {  	v2 =	vsub.f32 v4, v5  }
0x159: {  	v0 =	vadd.f32 v0, v1  }
0x15a: {  	[tilespmem:s26+$0xFFFFFFD0] =	vst v2  }
0x15b: {  	[tilespmem:s26+$0x10] =	vst v0  }
0x15c: {  	v0 =	vld [tilespmem:s28+$0x20]  }
0x15d: {  	v1 =	vld [tilespmem:s28+$0xFFFFFFE0]  }
0x15e: {  	v3 =	vld [tilespmem:s26+$0xFFFFFFE0]  }
0x15f: {  	v2 =	vld [tilespmem:s26+$0x20];
	_ =	sdelay $0x2  }
0x160: {  	v0 =	vsel vm0, v0, v1  }
0x161: {  	v1 =	vshll.u32 v0, $0x10;
	v0 =	vand.u32 $0xFFFF0000, v0  }
0x162: {  	v4 =	vmul.f32 v1, v3;
	v5 =	vmul.f32 v0, v2  }
0x163: {  	v1 =	vmul.f32 v1, v2;
	v0 =	vmul.f32 v0, v3  }
0x164: {  	v2 =	vsub.f32 v4, v5  }
0x165: {  	v0 =	vadd.f32 v0, v1  }
0x166: {  	[tilespmem:s26+$0xFFFFFFE0] =	vst v2  }
0x167: {  	v1 =	vld [tilespmem:s26+$0x30];
	[tilespmem:s26+$0x20] =	vst v0  }
0x168: {  	v2 =	vld [tilespmem:s28+$0x30]  }
0x169: {  	s29 =	simm.s32 $0x1;
	v3 =	vld [tilespmem:s28+$0xFFFFFFF0]  }
0x16a: {  	s0 =	simm.s32 $0x2;
	v4 =	vmov s29;
	s29 =	simm.s32 $0x4640;
	v0 =	vld [tilespmem:s26+$0xFFFFFFF0]  }
.LBB2_6:
0x16b: {  	s26 =	sadd.s32 $0x80, s26  }
0x16c: {  	v4 =	vand.u32 $0x7F, v4;
	s28 =	sadd.s32 $0x80, s28;
	s31 =	smov.u32 s0;
	s30 =	sadd.s32 $0x1, s0  }
0x16d: {  	p0 =	sne.s32 s0, $0x7F;
	v4 =	vor.u32 $0x100, v4  }
0x16e: {  	v4 =	vbroadcast v4, $0x0;
	v2 =	vsel vm0, v2, v3  }
0x16f: {  	v3 =	vshll.u32 v2, $0x10;
	v2 =	vand.u32 $0xFFFF0000, v2  }
0x170: {  	v5 =	vmul.f32 v3, v0;
	v6 =	vmul.f32 v2, v1  }
0x171: {  	v1 =	vmul.f32 v3, v1;
	v0 =	vmul.f32 v2, v0  }
0x172: {  	v2 =	vsub.f32 v5, v6  }
0x173: {  	v0 =	vadd.f32 v0, v1  }
0x174: {  	[tilespmem:s29+$0xFFFFFFF0] =	vst v2  }
0x175: {  	[tilespmem:s29+$0x30] =	vst v0;
	s29 =	smov.u32 s26  }
0x176: {  	v0 =	vld.idx.msk [tilespmem:v4+s15+$0x0], $0xffff  }
0x177: {  	v1 =	vld [tilespmem:s28+$0x0]  }
0x178: {  	v2 =	vld [tilespmem:s28+$0xFFFFFFC0]  }
0x179: {  	v3 =	vld [tilespmem:s26+$0xFFFFFFC0]  }
0x17a: {  	v4 =	vld [tilespmem:s26+$0x0];
	_ =	sdelay $0x1  }
0x17b: {  	vm0 =	vgt.s32 v0, $0x0  }
0x17c: {  	v0 =	vsel vm0, v1, v2  }
0x17d: {  	v1 =	vshll.u32 v0, $0x10;
	v0 =	vand.u32 $0xFFFF0000, v0  }
0x17e: {  	v2 =	vmul.f32 v1, v3;
	v5 =	vmul.f32 v0, v4  }
0x17f: {  	v1 =	vmul.f32 v1, v4;
	v0 =	vmul.f32 v0, v3  }
0x180: {  	v2 =	vsub.f32 v2, v5  }
0x181: {  	v0 =	vadd.f32 v0, v1  }
0x182: {  	[tilespmem:s26+$0xFFFFFFC0] =	vst v2  }
0x183: {  	[tilespmem:s26+$0x0] =	vst v0  }
0x184: {  	v0 =	vld [tilespmem:s28+$0x10]  }
0x185: {  	v1 =	vld [tilespmem:s28+$0xFFFFFFD0]  }
0x186: {  	v2 =	vld [tilespmem:s26+$0x10]  }
0x187: {  	v3 =	vld [tilespmem:s26+$0xFFFFFFD0];
	_ =	sdelay $0x2  }
0x188: {  	v0 =	vsel vm0, v0, v1  }
0x189: {  	v1 =	vshll.u32 v0, $0x10;
	v0 =	vand.u32 $0xFFFF0000, v0  }
0x18a: {  	v4 =	vmul.f32 v1, v3;
	v5 =	vmul.f32 v0, v2  }
0x18b: {  	v1 =	vmul.f32 v1, v2;
	v0 =	vmul.f32 v0, v3  }
0x18c: {  	v2 =	vsub.f32 v4, v5  }
0x18d: {  	v0 =	vadd.f32 v0, v1  }
0x18e: {  	[tilespmem:s26+$0xFFFFFFD0] =	vst v2  }
0x18f: {  	[tilespmem:s26+$0x10] =	vst v0  }
0x190: {  	v0 =	vld [tilespmem:s28+$0x20]  }
0x191: {  	v1 =	vld [tilespmem:s28+$0xFFFFFFE0]  }
0x192: {  	v2 =	vld [tilespmem:s26+$0x20]  }
0x193: {  	v3 =	vld [tilespmem:s26+$0xFFFFFFE0];
	_ =	sdelay $0x2  }
0x194: {  	v0 =	vsel vm0, v0, v1  }
0x195: {  	v1 =	vshll.u32 v0, $0x10;
	v0 =	vand.u32 $0xFFFF0000, v0  }
0x196: {  	v4 =	vmul.f32 v1, v3;
	v5 =	vmul.f32 v0, v2  }
0x197: {  	v1 =	vmul.f32 v1, v2;
	v0 =	vmul.f32 v0, v3  }
0x198: {  	v2 =	vsub.f32 v4, v5  }
0x199: {  	v0 =	vadd.f32 v0, v1  }
0x19a: {  	[tilespmem:s26+$0xFFFFFFE0] =	vst v2  }
.Ltmp2:
0x19b: {  	[tilespmem:s26+$0x20] =	vst v0;
	(pc) =	sbr.rel @p0 .LBB2_6-.Ltmp2, $4  }
0x19c: {  	v2 =	vld [tilespmem:s28+$0x30]  }
0x19d: {  	v3 =	vld [tilespmem:s28+$0xFFFFFFF0]  }
0x19e: {  	v0 =	vld [tilespmem:s26+$0xFFFFFFF0]  }
0x19f: {  	s0 =	smov.u32 s30;
	v4 =	vmov s31;
	v1 =	vld [tilespmem:s26+$0x30]  }
0x1a0: {  	_ = 	snop  }
0x1a1: {  	v4 =	vand.u32 $0x7F, v4  }
0x1a2: {  	v4 =	vor.u32 $0x100, v4;
	v2 =	vsel vm0, v2, v3  }
0x1a3: {  	v3 =	vbroadcast v4, $0x0;
	v4 =	vshll.u32 v2, $0x10;
	v2 =	vand.u32 $0xFFFF0000, v2  }
0x1a4: {  	v5 =	vmul.f32 v4, v0;
	v6 =	vmul.f32 v2, v1  }
0x1a5: {  	v1 =	vmul.f32 v4, v1;
	v0 =	vmul.f32 v2, v0  }
0x1a6: {  	v2 =	vsub.f32 v5, v6  }
0x1a7: {  	v0 =	vadd.f32 v0, v1  }
0x1a8: {  	[tilespmem:s29+$0xFFFFFFF0] =	vst v2  }
0x1a9: {  	[tilespmem:s29+$0x30] =	vst v0  }
0x1aa: {  	s0 =	sadd.s32 $0x80, s28;
	v0 =	vld.idx.msk [tilespmem:v3+s15+$0x0], $0xffff  }
0x1ab: {  	v1 =	vld [tilespmem:s0+$0x0]  }
0x1ac: {  	s26 =	sadd.s32 $0x80, s26;
	v2 =	vld [tilespmem:s0+$0xFFFFFFC0]  }
0x1ad: {  	v3 =	vld [tilespmem:s26+$0xFFFFFFC0]  }
0x1ae: {  	v4 =	vld [tilespmem:s26+$0x0];
	_ =	sdelay $0x1  }
0x1af: {  	vm0 =	vgt.s32 v0, $0x0  }
0x1b0: {  	v0 =	vsel vm0, v1, v2  }
0x1b1: {  	v1 =	vshll.u32 v0, $0x10;
	v0 =	vand.u32 $0xFFFF0000, v0  }
0x1b2: {  	v2 =	vmul.f32 v1, v3;
	v5 =	vmul.f32 v0, v4  }
0x1b3: {  	v1 =	vmul.f32 v1, v4;
	v0 =	vmul.f32 v0, v3  }
0x1b4: {  	v2 =	vsub.f32 v2, v5  }
0x1b5: {  	v0 =	vadd.f32 v0, v1  }
0x1b6: {  	[tilespmem:s26+$0xFFFFFFC0] =	vst v2  }
0x1b7: {  	[tilespmem:s26+$0x0] =	vst v0  }
0x1b8: {  	v0 =	vld [tilespmem:s0+$0x10]  }
0x1b9: {  	v1 =	vld [tilespmem:s0+$0xFFFFFFD0]  }
0x1ba: {  	v3 =	vld [tilespmem:s26+$0xFFFFFFD0]  }
0x1bb: {  	v2 =	vld [tilespmem:s26+$0x10];
	_ =	sdelay $0x2  }
0x1bc: {  	v0 =	vsel vm0, v0, v1  }
0x1bd: {  	v1 =	vshll.u32 v0, $0x10;
	v0 =	vand.u32 $0xFFFF0000, v0  }
0x1be: {  	v4 =	vmul.f32 v1, v3;
	v5 =	vmul.f32 v0, v2  }
0x1bf: {  	v1 =	vmul.f32 v1, v2;
	v0 =	vmul.f32 v0, v3  }
0x1c0: {  	v2 =	vsub.f32 v4, v5  }
0x1c1: {  	v0 =	vadd.f32 v0, v1  }
0x1c2: {  	[tilespmem:s26+$0xFFFFFFD0] =	vst v2  }
0x1c3: {  	[tilespmem:s26+$0x10] =	vst v0  }
0x1c4: {  	v0 =	vld [tilespmem:s0+$0x20]  }
0x1c5: {  	v1 =	vld [tilespmem:s0+$0xFFFFFFE0]  }
0x1c6: {  	v3 =	vld [tilespmem:s26+$0xFFFFFFE0]  }
0x1c7: {  	v2 =	vld [tilespmem:s26+$0x20];
	_ =	sdelay $0x2  }
0x1c8: {  	v0 =	vsel vm0, v0, v1  }
0x1c9: {  	v1 =	vshll.u32 v0, $0x10;
	v0 =	vand.u32 $0xFFFF0000, v0  }
0x1ca: {  	v4 =	vmul.f32 v1, v3;
	v5 =	vmul.f32 v0, v2  }
0x1cb: {  	v1 =	vmul.f32 v1, v2;
	v0 =	vmul.f32 v0, v3  }
0x1cc: {  	v2 =	vsub.f32 v4, v5  }
0x1cd: {  	v0 =	vadd.f32 v0, v1  }
0x1ce: {  	[tilespmem:s26+$0xFFFFFFE0] =	vst v2  }
0x1cf: {  	[tilespmem:s26+$0x20] =	vst v0  }
0x1d0: {  	v0 =	vld [tilespmem:s0+$0x30]  }
0x1d1: {  	v1 =	vld [tilespmem:s0+$0xFFFFFFF0]  }
0x1d2: {  	v3 =	vld [tilespmem:s26+$0x30]  }
0x1d3: {  	v2 =	vld [tilespmem:s26+$0xFFFFFFF0];
	_ =	sdelay $0x2  }
0x1d4: {  	v0 =	vsel vm0, v0, v1  }
0x1d5: {  	v1 =	vshll.u32 v0, $0x10;
	v0 =	vand.u32 $0xFFFF0000, v0  }
0x1d6: {  	v4 =	vmul.f32 v1, v2;
	v5 =	vmul.f32 v0, v3  }
0x1d7: {  	v1 =	vmul.f32 v1, v3;
	v0 =	vmul.f32 v0, v2  }
0x1d8: {  	v2 =	vsub.f32 v4, v5  }
0x1d9: {  	v0 =	vadd.f32 v0, v1  }
0x1da: {  	[tilespmem:s26+$0xFFFFFFF0] =	vst v2  }
0x1db: {  	s31 =	simm.s32 $0x0;
	[tilespmem:s26+$0x30] =	vst v0  }
0x1dc: {  	[hbm4b:s10+s31] =	stream.linear.scatter [tilespmem:s18], [sflag:$0x2], $0x4000, $0x38;
	[tilespmem:$0x8600] =	vst v63  }
0x1dd: {  	_ =	swait.ge [sflag:s13], $0x4000  }
0x1de: {  	[sflag:s13] =	ssyncset.done $0x0  }
0x1df: {  	[sflag:s13] =	ssyncadd.s32 $0xFFFFC000  }
0x1e0: {  	v0 =	vmov s31;
	[tilespmem:s17], [sflag:$0x1] =	stream.indirect.gather [hbm4b:s4+s16], $0x80, s23, s16, $0xb8;
	[tilespmem:$0x8600] =	vst v63  }
0x1e1: {  	v0 =	vand.u32 $0x7F, v0  }
0x1e2: {  	v0 =	vor.u32 $0x180, v0;
	[tilespmem:s18], [sflag:$0x1] =	stream.indirect.gather [hbm4b:s2+s16], $0x80, s24, s16, $0xb8;
	[tilespmem:$0x8600] =	vst v63  }
0x1e3: {  	v0 =	vbroadcast v0, $0x0;
	_ =	swait.ge [sflag:s19], $0x4000  }
0x1e4: {  	[sflag:s19] =	ssyncset.done $0x0  }
0x1e5: {  	[sflag:s19] =	ssyncadd.s32 $0xFFFFC000  }
0x1e6: {  	_ =	swait.ge [sflag:s19], $0x4000  }
0x1e7: {  	[sflag:s19] =	ssyncset.done $0x0  }
0x1e8: {  	[sflag:s19] =	ssyncadd.s32 $0xFFFFC000  }
0x1e9: {  	s28 =	simm.s32 $0x640;
	v0 =	vld.idx.msk [tilespmem:v0+s15+$0x0], $0xffff  }
0x1ea: {  	v1 =	vld [tilespmem:s28+$0x0]  }
0x1eb: {  	s26 =	simm.s32 $0x4640;
	v2 =	vld [tilespmem:s28+$0xFFFFFFC0]  }
0x1ec: {  	v3 =	vld [tilespmem:s26+$0xFFFFFFC0]  }
0x1ed: {  	v4 =	vld [tilespmem:s26+$0x0];
	_ =	sdelay $0x1  }
0x1ee: {  	vm0 =	vgt.s32 v0, $0x0  }
0x1ef: {  	v0 =	vsel vm0, v1, v2  }
0x1f0: {  	v1 =	vshll.u32 v0, $0x10;
	v0 =	vand.u32 $0xFFFF0000, v0  }
0x1f1: {  	v2 =	vmul.f32 v1, v3;
	v5 =	vmul.f32 v0, v4  }
0x1f2: {  	v1 =	vmul.f32 v1, v4;
	v0 =	vmul.f32 v0, v3  }
0x1f3: {  	v2 =	vsub.f32 v2, v5  }
0x1f4: {  	v0 =	vadd.f32 v0, v1  }
0x1f5: {  	[tilespmem:s26+$0xFFFFFFC0] =	vst v2  }
0x1f6: {  	[tilespmem:s26+$0x0] =	vst v0  }
0x1f7: {  	v0 =	vld [tilespmem:s28+$0x10]  }
0x1f8: {  	v1 =	vld [tilespmem:s28+$0xFFFFFFD0]  }
0x1f9: {  	v3 =	vld [tilespmem:s26+$0xFFFFFFD0]  }
0x1fa: {  	v2 =	vld [tilespmem:s26+$0x10];
	_ =	sdelay $0x2  }
0x1fb: {  	v0 =	vsel vm0, v0, v1  }
0x1fc: {  	v1 =	vshll.u32 v0, $0x10;
	v0 =	vand.u32 $0xFFFF0000, v0  }
0x1fd: {  	v4 =	vmul.f32 v1, v3;
	v5 =	vmul.f32 v0, v2  }
0x1fe: {  	v1 =	vmul.f32 v1, v2;
	v0 =	vmul.f32 v0, v3  }
0x1ff: {  	v2 =	vsub.f32 v4, v5  }
0x200: {  	v0 =	vadd.f32 v0, v1  }
0x201: {  	[tilespmem:s26+$0xFFFFFFD0] =	vst v2  }
0x202: {  	[tilespmem:s26+$0x10] =	vst v0  }
0x203: {  	v0 =	vld [tilespmem:s28+$0x20]  }
0x204: {  	v1 =	vld [tilespmem:s28+$0xFFFFFFE0]  }
0x205: {  	v3 =	vld [tilespmem:s26+$0xFFFFFFE0]  }
0x206: {  	v2 =	vld [tilespmem:s26+$0x20];
	_ =	sdelay $0x2  }
0x207: {  	v0 =	vsel vm0, v0, v1  }
0x208: {  	v1 =	vshll.u32 v0, $0x10;
	v0 =	vand.u32 $0xFFFF0000, v0  }
0x209: {  	v4 =	vmul.f32 v1, v3;
	v5 =	vmul.f32 v0, v2  }
0x20a: {  	v1 =	vmul.f32 v1, v2;
	v0 =	vmul.f32 v0, v3  }
0x20b: {  	v2 =	vsub.f32 v4, v5  }
0x20c: {  	v0 =	vadd.f32 v0, v1  }
0x20d: {  	[tilespmem:s26+$0xFFFFFFE0] =	vst v2  }
0x20e: {  	v1 =	vld [tilespmem:s26+$0x30];
	[tilespmem:s26+$0x20] =	vst v0  }
0x20f: {  	v2 =	vld [tilespmem:s28+$0x30]  }
0x210: {  	s29 =	simm.s32 $0x1;
	v3 =	vld [tilespmem:s28+$0xFFFFFFF0]  }
0x211: {  	s0 =	simm.s32 $0x2;
	v4 =	vmov s29;
	s29 =	simm.s32 $0x4640;
	v0 =	vld [tilespmem:s26+$0xFFFFFFF0]  }
.LBB2_8:
0x212: {  	s26 =	sadd.s32 $0x80, s26  }
0x213: {  	v4 =	vand.u32 $0x7F, v4;
	s28 =	sadd.s32 $0x80, s28;
	s31 =	smov.u32 s0;
	s30 =	sadd.s32 $0x1, s0  }
0x214: {  	p0 =	sne.s32 s0, $0x7F;
	v4 =	vor.u32 $0x180, v4  }
0x215: {  	v4 =	vbroadcast v4, $0x0;
	v2 =	vsel vm0, v2, v3  }
0x216: {  	v3 =	vshll.u32 v2, $0x10;
	v2 =	vand.u32 $0xFFFF0000, v2  }
0x217: {  	v5 =	vmul.f32 v3, v0;
	v6 =	vmul.f32 v2, v1  }
0x218: {  	v1 =	vmul.f32 v3, v1;
	v0 =	vmul.f32 v2, v0  }
0x219: {  	v2 =	vsub.f32 v5, v6  }
0x21a: {  	v0 =	vadd.f32 v0, v1  }
0x21b: {  	[tilespmem:s29+$0xFFFFFFF0] =	vst v2  }
0x21c: {  	[tilespmem:s29+$0x30] =	vst v0;
	s29 =	smov.u32 s26  }
0x21d: {  	v0 =	vld.idx.msk [tilespmem:v4+s15+$0x0], $0xffff  }
0x21e: {  	v1 =	vld [tilespmem:s28+$0x0]  }
0x21f: {  	v2 =	vld [tilespmem:s28+$0xFFFFFFC0]  }
0x220: {  	v3 =	vld [tilespmem:s26+$0xFFFFFFC0]  }
0x221: {  	v4 =	vld [tilespmem:s26+$0x0];
	_ =	sdelay $0x1  }
0x222: {  	vm0 =	vgt.s32 v0, $0x0  }
0x223: {  	v0 =	vsel vm0, v1, v2  }
0x224: {  	v1 =	vshll.u32 v0, $0x10;
	v0 =	vand.u32 $0xFFFF0000, v0  }
0x225: {  	v2 =	vmul.f32 v1, v3;
	v5 =	vmul.f32 v0, v4  }
0x226: {  	v1 =	vmul.f32 v1, v4;
	v0 =	vmul.f32 v0, v3  }
0x227: {  	v2 =	vsub.f32 v2, v5  }
0x228: {  	v0 =	vadd.f32 v0, v1  }
0x229: {  	[tilespmem:s26+$0xFFFFFFC0] =	vst v2  }
0x22a: {  	[tilespmem:s26+$0x0] =	vst v0  }
0x22b: {  	v0 =	vld [tilespmem:s28+$0x10]  }
0x22c: {  	v1 =	vld [tilespmem:s28+$0xFFFFFFD0]  }
0x22d: {  	v2 =	vld [tilespmem:s26+$0x10]  }
0x22e: {  	v3 =	vld [tilespmem:s26+$0xFFFFFFD0];
	_ =	sdelay $0x2  }
0x22f: {  	v0 =	vsel vm0, v0, v1  }
0x230: {  	v1 =	vshll.u32 v0, $0x10;
	v0 =	vand.u32 $0xFFFF0000, v0  }
0x231: {  	v4 =	vmul.f32 v1, v3;
	v5 =	vmul.f32 v0, v2  }
0x232: {  	v1 =	vmul.f32 v1, v2;
	v0 =	vmul.f32 v0, v3  }
0x233: {  	v2 =	vsub.f32 v4, v5  }
0x234: {  	v0 =	vadd.f32 v0, v1  }
0x235: {  	[tilespmem:s26+$0xFFFFFFD0] =	vst v2  }
0x236: {  	[tilespmem:s26+$0x10] =	vst v0  }
0x237: {  	v0 =	vld [tilespmem:s28+$0x20]  }
0x238: {  	v1 =	vld [tilespmem:s28+$0xFFFFFFE0]  }
0x239: {  	v2 =	vld [tilespmem:s26+$0x20]  }
0x23a: {  	v3 =	vld [tilespmem:s26+$0xFFFFFFE0];
	_ =	sdelay $0x2  }
0x23b: {  	v0 =	vsel vm0, v0, v1  }
0x23c: {  	v1 =	vshll.u32 v0, $0x10;
	v0 =	vand.u32 $0xFFFF0000, v0  }
0x23d: {  	v4 =	vmul.f32 v1, v3;
	v5 =	vmul.f32 v0, v2  }
0x23e: {  	v1 =	vmul.f32 v1, v2;
	v0 =	vmul.f32 v0, v3  }
0x23f: {  	v2 =	vsub.f32 v4, v5  }
0x240: {  	v0 =	vadd.f32 v0, v1  }
0x241: {  	[tilespmem:s26+$0xFFFFFFE0] =	vst v2  }
.Ltmp3:
0x242: {  	[tilespmem:s26+$0x20] =	vst v0;
	(pc) =	sbr.rel @p0 .LBB2_8-.Ltmp3, $4  }
0x243: {  	v2 =	vld [tilespmem:s28+$0x30]  }
0x244: {  	v3 =	vld [tilespmem:s28+$0xFFFFFFF0]  }
0x245: {  	v0 =	vld [tilespmem:s26+$0xFFFFFFF0]  }
0x246: {  	s0 =	smov.u32 s30;
	v4 =	vmov s31;
	v1 =	vld [tilespmem:s26+$0x30]  }
0x247: {  	_ = 	snop  }
0x248: {  	v4 =	vand.u32 $0x7F, v4  }
0x249: {  	v4 =	vor.u32 $0x180, v4;
	v2 =	vsel vm0, v2, v3  }
0x24a: {  	v36 =	vbroadcast v4, $0x0;
	v37 =	vshll.u32 v2, $0x10;
	v2 =	vand.u32 $0xFFFF0000, v2  }
0x24b: {  	v5 =	vmul.f32 v37, v0;
	v6 =	vmul.f32 v2, v1  }
0x24c: {  	v38 =	vmul.f32 v37, v1;
	v39 =	vmul.f32 v2, v0  }
0x24d: {  	v40 =	vsub.f32 v5, v6  }
0x24e: {  	v0 =	vadd.f32 v39, v38  }
0x24f: {  	[tilespmem:s29+$0xFFFFFFF0] =	vst v40  }
0x250: {  	[tilespmem:s29+$0x30] =	vst v0  }
0x251: {  	s0 =	sadd.s32 $0x80, s28;
	v0 =	vld.idx.msk [tilespmem:v36+s15+$0x0], $0xffff  }
0x252: {  	v41 =	vld [tilespmem:s0+$0x0]  }
0x253: {  	s26 =	sadd.s32 $0x80, s26;
	v2 =	vld [tilespmem:s0+$0xFFFFFFC0]  }
0x254: {  	v42 =	vld [tilespmem:s26+$0xFFFFFFC0]  }
0x255: {  	v43 =	vld [tilespmem:s26+$0x0];
	_ =	sdelay $0x1  }
0x256: {  	vm15 =	vgt.s32 v0, $0x0  }
0x257: {  	v0 =	vsel vm15, v41, v2  }
0x258: {  	v1 =	vshll.u32 v0, $0x10;
	v0 =	vand.u32 $0xFFFF0000, v0  }
0x259: {  	v44 =	vmul.f32 v1, v42;
	v45 =	vmul.f32 v0, v43  }
0x25a: {  	v1 =	vmul.f32 v1, v43;
	v0 =	vmul.f32 v0, v42  }
0x25b: {  	v2 =	vsub.f32 v44, v45  }
0x25c: {  	v0 =	vadd.f32 v0, v1  }
0x25d: {  	[tilespmem:s26+$0xFFFFFFC0] =	vst v2  }
0x25e: {  	[tilespmem:s26+$0x0] =	vst v0  }
0x25f: {  	v0 =	vld [tilespmem:s0+$0x10]  }
0x260: {  	v46 =	vld [tilespmem:s0+$0xFFFFFFD0]  }
0x261: {  	v47 =	vld [tilespmem:s26+$0x10]  }
0x262: {  	v48 =	vld [tilespmem:s26+$0xFFFFFFD0];
	_ =	sdelay $0x2  }
0x263: {  	v0 =	vsel vm15, v0, v46  }
0x264: {  	v1 =	vshll.u32 v0, $0x10;
	v0 =	vand.u32 $0xFFFF0000, v0  }
0x265: {  	v49 =	vmul.f32 v1, v48;
	v50 =	vmul.f32 v0, v47  }
0x266: {  	v1 =	vmul.f32 v1, v47;
	v0 =	vmul.f32 v0, v48  }
0x267: {  	v51 =	vsub.f32 v49, v50  }
0x268: {  	v0 =	vadd.f32 v0, v1  }
0x269: {  	[tilespmem:s26+$0xFFFFFFD0] =	vst v51  }
0x26a: {  	[tilespmem:s26+$0x10] =	vst v0  }
0x26b: {  	v0 =	vld [tilespmem:s0+$0x20]  }
0x26c: {  	v52 =	vld [tilespmem:s0+$0xFFFFFFE0]  }
0x26d: {  	v53 =	vld [tilespmem:s26+$0x20]  }
0x26e: {  	v54 =	vld [tilespmem:s26+$0xFFFFFFE0];
	_ =	sdelay $0x2  }
0x26f: {  	v0 =	vsel vm15, v0, v52  }
0x270: {  	v1 =	vshll.u32 v0, $0x10;
	v0 =	vand.u32 $0xFFFF0000, v0  }
0x271: {  	v55 =	vmul.f32 v1, v54;
	v56 =	vmul.f32 v0, v53  }
0x272: {  	v1 =	vmul.f32 v1, v53;
	v0 =	vmul.f32 v0, v54  }
0x273: {  	v57 =	vsub.f32 v55, v56  }
0x274: {  	v0 =	vadd.f32 v0, v1  }
0x275: {  	[tilespmem:s26+$0xFFFFFFE0] =	vst v57  }
0x276: {  	[tilespmem:s26+$0x20] =	vst v0  }
0x277: {  	v0 =	vld [tilespmem:s0+$0x30]  }
0x278: {  	v58 =	vld [tilespmem:s0+$0xFFFFFFF0]  }
0x279: {  	v59 =	vld [tilespmem:s26+$0xFFFFFFF0]  }
0x27a: {  	v60 =	vld [tilespmem:s26+$0x30];
	_ =	sdelay $0x2  }
0x27b: {  	v0 =	vsel vm15, v0, v58  }
0x27c: {  	v1 =	vshll.u32 v0, $0x10;
	v0 =	vand.u32 $0xFFFF0000, v0  }
0x27d: {  	v61 =	vmul.f32 v1, v59;
	v62 =	vmul.f32 v0, v60  }
0x27e: {  	v1 =	vmul.f32 v1, v60;
	v0 =	vmul.f32 v0, v59  }
0x27f: {  	v63 =	vsub.f32 v61, v62  }
0x280: {  	s25 =	sadd.s32 $0x1, s25;
	v0 =	vadd.f32 v0, v1  }
0x281: {  	p0 =	sne.s32 s25, s12;
	[tilespmem:s26+$0xFFFFFFF0] =	vst v63  }
.Ltmp4:
0x282: {  	[tilespmem:s26+$0x30] =	vst v0;
	(pc) =	sbr.rel @p0 .LBB2_1-.Ltmp4, $4  }
0x283: {  	[hbm4b:s11+s3] =	stream.linear.scatter [tilespmem:s18], [sflag:$0x2], $0x4000, $0x38;
	[tilespmem:$0x8600] =	vst v63  }
0x284: {  	_ =	swait.ge [sflag:s13], $0x4000  }
0x285: {  	[sflag:s13] =	ssyncset.done $0x0  }
0x286: {  	[sflag:s13] =	ssyncadd.s32 $0xFFFFC000  }
0x287: {  	_ =	sfence.sel $0x180000  }
0x288: {  	[bflag:$0x0] =	sbarrier.arrive $0xFFFF  }
0x289: {  	_ =	strace $0x90000047  }
0x28a: {  	[bflag:$0x2] =	sbarrier.arrive $0xFFFF  }
0x28b: {  	p0 =	sne.s32 s1, $0x0;
	s0 =	rddreg [dreg:$0x4]  }
0x28c: {  	s0 =	sadd.s32 @!p0 $0x100000, s0  }
0x28d: {  	[sflag:s0] =	ssyncadd.tile.s32 @!p0 $0x1;
	_ =	shalt  }
.Lfunc_end2:
_tile_overlayer_lowered:
.L_overlay_start_2:
0x28e: {  	(tag) =	ssettag $0x2  }
0x28f: {  	s0 =	rddreg [dreg:$0x0];
	s2 =	stileid.u32  }
0x290: {  	s1 =	rddreg [dreg:$0x1];
	p0 =	sne.s32 s2, $0x0  }
0x291: {  	s3 =	rddreg [dreg:$0x2];
	[bflag:$0x3] =	sbarrier.arrive $0xFFFF;
	s2 =	simm.s32 @!p0 $0x1C02  }
0x292: {  	[timem:s3], [sflag:s2] =	dma.local @!p0 [hbm:s0], s1  }
0x293: {  	s0 =	simm.s32 @!p0 $0x2  }
0x294: {  	_ =	swait.ge @!p0 [sflag:s0], s1  }
0x295: {  	s1 =	ssub.s32 @!p0 $0x0, s1;
	[sflag:s0] =	ssyncset.done @!p0 $0x0  }
0x296: {  	[sflag:s0] =	ssyncadd.s32 @!p0 s1  }
0x297: {  	[bflag:$0x3] =	sbarrier.arrive $0xFFFF  }
0x298: {  	_ =	shalt  }

</sc_bundles>
